<compile_context>
chip_gen: v7x
topology: tpu7x:2x2x1
jax: 0.10.2.dev20260603
libtpu: 0.0.44.dev20260713+nightly
codegen_flags: <defaults>
</compile_context>

<pallas_src>
import functools

import jax
import jax.numpy as jnp
from jax import lax
from jax.experimental import pallas as pl
from jax.experimental.pallas import tpu as pltpu
from jax.experimental.pallas import tpu_sc as plsc

E = 2048
N = 1024
OUT = 2 * E + N
DT = 1e-06

R = 512
NB = OUT // R
N_KCL = N // R
N_KVL = E // R
N_EL = E // R

_SC_INFO = plsc.get_sparse_core_info()
_NC = _SC_INFO.num_cores
_NS = _SC_INFO.num_subcores
_NW = _NC * _NS
_CHUNK = E // _NW
_LANES = 16


def _zy_sc_kernel(p_hbm, k_hbm, s_hbm, z_hbm, y_hbm, p_v, k_v, s_v, z_v, y_v):
    wid = lax.axis_index("s") * _NC + lax.axis_index("c")
    base = wid * _CHUNK
    pltpu.sync_copy(p_hbm.at[pl.ds(base, _CHUNK)], p_v)
    pltpu.sync_copy(k_hbm.at[pl.ds(base, _CHUNK)], k_v)
    pltpu.sync_copy(s_hbm.at[pl.ds(base, _CHUNK)], s_v)
    for j in range(_CHUNK // _LANES):
        sl = pl.ds(j * _LANES, _LANES)
        params = p_v[sl]
        kinds = k_v[sl]
        sw_on = s_v[sl] > 0.0
        sw_off_f = jnp.where(sw_on, 0.0, 1.0)
        sw_on_f = jnp.where(sw_on, 1.0, 0.0)
        z_v[sl] = jnp.where(kinds == 0, -params,
                  jnp.where(kinds == 4, -DT / params,
                  jnp.where(kinds == 5, 1.0,
                  jnp.where(kinds == 2, 1.0,
                  jnp.where(kinds == 3, sw_off_f, 0.0)))))
        y_v[sl] = jnp.where(kinds == 0, 1.0,
                  jnp.where(kinds == 4, 1.0,
                  jnp.where(kinds == 5, -DT / params,
                  jnp.where(kinds == 1, 1.0,
                  jnp.where(kinds == 3, sw_on_f, 0.0)))))
    pltpu.sync_copy(z_v, z_hbm.at[pl.ds(base, _CHUNK)])
    pltpu.sync_copy(y_v, y_hbm.at[pl.ds(base, _CHUNK)])


def _compute_zy(params, kinds, swcol):
    return pl.kernel(
        _zy_sc_kernel,
        out_type=(jax.ShapeDtypeStruct((E,), jnp.float32),
                  jax.ShapeDtypeStruct((E,), jnp.float32)),
        mesh=plsc.VectorSubcoreMesh(core_axis_name="c", subcore_axis_name="s"),
        scratch_types=[
            pltpu.VMEM((_CHUNK,), jnp.float32),
            pltpu.VMEM((_CHUNK,), jnp.int32),
            pltpu.VMEM((_CHUNK,), jnp.float32),
            pltpu.VMEM((_CHUNK,), jnp.float32),
            pltpu.VMEM((_CHUNK,), jnp.float32),
        ],
    )(params, kinds, swcol)


def _band_kernel(m_hbm, z_ref, y_ref, out_ref, m_vmem, sem):
    s = pl.program_id(0)

    @pl.when(s == 0)
    def _start_m_copy():
        pltpu.make_async_copy(m_hbm, m_vmem, sem).start()

    @pl.when(s == N_EL)
    def _wait_m_copy():
        pltpu.make_async_copy(m_hbm, m_vmem, sem).wait()

    @pl.when(s < N_EL)
    def _el():
        e0 = s * R
        rows = jax.lax.broadcasted_iota(jnp.int32, (R, E), 0)
        cols = jax.lax.broadcasted_iota(jnp.int32, (R, E), 1)
        diag = cols == rows + e0
        out_ref[:, 0:E] = jnp.where(diag, z_ref[...], 0.0)
        out_ref[:, E:2 * E] = jnp.where(diag, y_ref[...], 0.0)
        out_ref[:, 2 * E:] = jnp.zeros((R, N), jnp.float32)

    def _kvl(e0):
        rows = jax.lax.broadcasted_iota(jnp.int32, (R, E), 0)
        cols = jax.lax.broadcasted_iota(jnp.int32, (R, E), 1)
        out_ref[:, 0:E] = jnp.zeros((R, E), jnp.float32)
        out_ref[:, E:2 * E] = jnp.where(cols == rows + e0, 1.0, 0.0)
        out_ref[:, 2 * E:] = -m_vmem[:, e0:e0 + R].T

    def _kcl(r0):
        out_ref[:, 0:E] = m_vmem[r0:r0 + R, :]
        out_ref[:, E:] = jnp.zeros((R, OUT - E), jnp.float32)

    for b in range(N_KVL):
        pl.when(s == N_EL + b)(lambda b=b: _kvl(b * R))
    for b in range(N_KCL):
        pl.when(s == N_EL + N_KVL + b)(lambda b=b: _kcl(b * R))


def _out_band(s):
    return jnp.where(s < N_EL, s + N_KCL + N_KVL,
           jnp.where(s < N_EL + N_KVL, s - N_EL + N_KCL,
                     s - N_EL - N_KVL))


def kernel(M, params, sw_params, kinds, time):
    swcol = sw_params[:, time]
    z, y = _compute_zy(params.astype(jnp.float32),
                       kinds.astype(jnp.int32),
                       swcol.astype(jnp.float32))
    z2 = z.reshape(1, E)
    y2 = y.reshape(1, E)

    out = pl.pallas_call(
        _band_kernel,
        grid=(NB,),
        in_specs=[
            pl.BlockSpec(memory_space=pl.ANY),
            pl.BlockSpec((1, E), lambda i: (0, 0)),
            pl.BlockSpec((1, E), lambda i: (0, 0)),
        ],
        out_specs=pl.BlockSpec((R, OUT), lambda i: (_out_band(i), 0)),
        out_shape=jax.ShapeDtypeStruct((OUT, OUT), jnp.float32),
        scratch_shapes=[
            pltpu.VMEM((N, E), jnp.float32),
            pltpu.SemaphoreType.DMA,
        ],
    )(M, z2, y2)
    return out

# --- scband reference (transcript-rebuilt; emitter-appended) ---
"""Pipeline reference for scband-coefficients-15960098472232 (READ-ONLY COPY).

The authoritative reference and input builder live on the scoring server;
editing this copy changes nothing except your own understanding.
"""

import jax, jax.numpy as jnp
import numpy as np

E = 2048   # num_elements
N = 1024   # num_nodes
SIG = 128  # switch signal length
DT = 1e-06 # system dt

# element kind codes: 0=R, 1=IVS, 2=VC, 3=SW, 4=C, 5=L

def setup_inputs(seed: int = 0) -> dict:
    key = jax.random.key(seed)
    k1, k2, k3, k4 = jax.random.split(key, 4)
    # incidence-like matrix with entries in {-1, 0, 1}
    M = jax.random.randint(k1, (N, E), -1, 2).astype(jnp.float32)
    kinds = jax.random.randint(k2, (E,), 0, 6)
    # positive, well-conditioned element coefficients (R/C/L values)
    params = jax.random.uniform(k3, (E,), minval=0.5, maxval=1.5, dtype=jnp.float32)
    # per-timestep switch logits
    sw_params = jax.random.normal(k4, (E, SIG), dtype=jnp.float32)
    time = 64
    return {"M": M, "params": params, "sw_params": sw_params, "kinds": kinds, "time": time}


def reference(M, params, sw_params, kinds, time):
    dt = DT
    sw_on = jax.nn.sigmoid(sw_params[:, time]) > 0.5
    # z-block diagonal values per element kind
    z_vals = jnp.where(kinds == 0, -params,                     # R: z = -R
             jnp.where(kinds == 4, -dt / params,                # C: z = -dt/C
             jnp.where(kinds == 5, 1.0,                         # L: z = 1
             jnp.where(kinds == 2, 1.0,                         # VC: z = 1
             jnp.where((kinds == 3) & (~sw_on), 1.0, 0.0)))))   # SW off: z = 1
    # y-block diagonal values per element kind
    y_vals = jnp.where(kinds == 0, 1.0,                         # R: y = 1
             jnp.where(kinds == 4, 1.0,                         # C: y = 1
             jnp.where(kinds == 5, -dt / params,                # L: y = -dt/L
             jnp.where(kinds == 1, 1.0,                         # IVS: y = 1
             jnp.where((kinds == 3) & sw_on, 1.0, 0.0)))))      # SW on: y = 1
    idx = jnp.arange(E)
    # per-element rows: scatter single entries into zero rows of width 2E+N
    el = jnp.zeros((E, 2 * E + N), dtype=M.dtype)
    el = el.at[idx, idx].set(z_vals)
    el = el.at[idx, idx + E].set(y_vals)
    # KCL block: [M, 0, 0]
    kcl = jnp.concatenate([M, jnp.zeros((N, E), M.dtype), jnp.zeros((N, N), M.dtype)], axis=1)
    # KVL block: [0, I, -M^T]
    kvl = jnp.concatenate([jnp.zeros((E, E), M.dtype), jnp.eye(E, dtype=M.dtype), -M.T], axis=1)
    coeff = jnp.concatenate([kcl, kvl, el], axis=0)
    return coeff

if __name__ == "__main__":
    import jax
    _d = setup_inputs()
    print(jax.jit(kernel)(*tuple(_d.values())))

</pallas_src>

<mosaic_0001>
#map = affine_map<(d0, d1) -> (0)>
module attributes {stable_mosaic.version = 14 : i64} {
  func.func @_zy_sc_kernel(%arg0: i32, %arg1: i32, %arg2: memref<2048xf32, #tpu.memory_space<hbm>>, %arg3: memref<2048xi32, #tpu.memory_space<hbm>>, %arg4: memref<2048xf32, #tpu.memory_space<hbm>>, %arg5: memref<2048xf32, #tpu.memory_space<hbm>>, %arg6: memref<2048xf32, #tpu.memory_space<hbm>>, %arg7: memref<64xf32, #tpu.memory_space<vmem>>, %arg8: memref<64xi32, #tpu.memory_space<vmem>>, %arg9: memref<64xf32, #tpu.memory_space<vmem>>, %arg10: memref<64xf32, #tpu.memory_space<vmem>>, %arg11: memref<64xf32, #tpu.memory_space<vmem>>) attributes {dimension_semantics = [#tpu.dimension_semantics<core_parallel>, #tpu.dimension_semantics<subcore_parallel>], iteration_bounds = array<i64: 2, 16>, scalar_prefetch = 0 : i64, scratch_operands = 5 : i64, tpu.core_type = #tpu.core_type<sc_vector_subcore>, window_params = [{transform_indices = #map}, {transform_indices = #map}, {transform_indices = #map}, {transform_indices = #map}, {transform_indices = #map}]} {
    %mul3A = arith.constant 2 : i32
    %mul3A_0 = arith.muli %arg1, %mul3A : i32
    %add3A = arith.addi %mul3A_0, %arg0 : i32
    %mul3A_1 = arith.constant 64 : i32
    %mul3A_2 = arith.muli %add3A, %mul3A_1 : i32
    "tpu.region"() ({
      %run_scoped3A = tpu.sem_alloc : memref<!tpu.dma_semaphore, #tpu.memory_space<semaphore_mem>>
      %dma_start3A = tpu.memref_slice %arg2[%mul3A_2] : memref<2048xf32, #tpu.memory_space<hbm>> -> memref<64xf32, #tpu.memory_space<hbm>>
      %dma_start3A_366 = tpu.memref_slice %arg2[%mul3A_2] : memref<2048xf32, #tpu.memory_space<hbm>> -> memref<64xf32, #tpu.memory_space<hbm>>
      tpu.enqueue_dma source(%dma_start3A_366 : memref<64xf32, #tpu.memory_space<hbm>>) target(%arg7 : memref<64xf32, #tpu.memory_space<vmem>>) target_semaphore(%run_scoped3A : memref<!tpu.dma_semaphore, #tpu.memory_space<semaphore_mem>>)
      %dma_wait3A = tpu.memref_slice %arg2[%mul3A_2] : memref<2048xf32, #tpu.memory_space<hbm>> -> memref<64xf32, #tpu.memory_space<hbm>>
      %dma_wait3A_367 = tpu.memref_slice %arg2[%mul3A_2] : memref<2048xf32, #tpu.memory_space<hbm>> -> memref<64xf32, #tpu.memory_space<hbm>>
      tpu.wait_dma2 semaphore(%run_scoped3A : memref<!tpu.dma_semaphore, #tpu.memory_space<semaphore_mem>>) src(%dma_wait3A_367 : memref<64xf32, #tpu.memory_space<hbm>>) dst(%arg7 : memref<64xf32, #tpu.memory_space<vmem>>)
      tpu.yield
    }) : () -> ()
    "tpu.region"() ({
      %run_scoped3A = tpu.sem_alloc : memref<!tpu.dma_semaphore, #tpu.memory_space<semaphore_mem>>
      %dma_start3A = tpu.memref_slice %arg3[%mul3A_2] : memref<2048xi32, #tpu.memory_space<hbm>> -> memref<64xi32, #tpu.memory_space<hbm>>
      %dma_start3A_366 = tpu.memref_slice %arg3[%mul3A_2] : memref<2048xi32, #tpu.memory_space<hbm>> -> memref<64xi32, #tpu.memory_space<hbm>>
      tpu.enqueue_dma source(%dma_start3A_366 : memref<64xi32, #tpu.memory_space<hbm>>) target(%arg8 : memref<64xi32, #tpu.memory_space<vmem>>) target_semaphore(%run_scoped3A : memref<!tpu.dma_semaphore, #tpu.memory_space<semaphore_mem>>)
      %dma_wait3A = tpu.memref_slice %arg3[%mul3A_2] : memref<2048xi32, #tpu.memory_space<hbm>> -> memref<64xi32, #tpu.memory_space<hbm>>
      %dma_wait3A_367 = tpu.memref_slice %arg3[%mul3A_2] : memref<2048xi32, #tpu.memory_space<hbm>> -> memref<64xi32, #tpu.memory_space<hbm>>
      tpu.wait_dma2 semaphore(%run_scoped3A : memref<!tpu.dma_semaphore, #tpu.memory_space<semaphore_mem>>) src(%dma_wait3A_367 : memref<64xi32, #tpu.memory_space<hbm>>) dst(%arg8 : memref<64xi32, #tpu.memory_space<vmem>>)
      tpu.yield
    }) : () -> ()
    "tpu.region"() ({
      %run_scoped3A = tpu.sem_alloc : memref<!tpu.dma_semaphore, #tpu.memory_space<semaphore_mem>>
      %dma_start3A = tpu.memref_slice %arg4[%mul3A_2] : memref<2048xf32, #tpu.memory_space<hbm>> -> memref<64xf32, #tpu.memory_space<hbm>>
      %dma_start3A_366 = tpu.memref_slice %arg4[%mul3A_2] : memref<2048xf32, #tpu.memory_space<hbm>> -> memref<64xf32, #tpu.memory_space<hbm>>
      tpu.enqueue_dma source(%dma_start3A_366 : memref<64xf32, #tpu.memory_space<hbm>>) target(%arg9 : memref<64xf32, #tpu.memory_space<vmem>>) target_semaphore(%run_scoped3A : memref<!tpu.dma_semaphore, #tpu.memory_space<semaphore_mem>>)
      %dma_wait3A = tpu.memref_slice %arg4[%mul3A_2] : memref<2048xf32, #tpu.memory_space<hbm>> -> memref<64xf32, #tpu.memory_space<hbm>>
      %dma_wait3A_367 = tpu.memref_slice %arg4[%mul3A_2] : memref<2048xf32, #tpu.memory_space<hbm>> -> memref<64xf32, #tpu.memory_space<hbm>>
      tpu.wait_dma2 semaphore(%run_scoped3A : memref<!tpu.dma_semaphore, #tpu.memory_space<semaphore_mem>>) src(%dma_wait3A_367 : memref<64xf32, #tpu.memory_space<hbm>>) dst(%arg9 : memref<64xf32, #tpu.memory_space<vmem>>)
      tpu.yield
    }) : () -> ()
    %get3A = arith.constant 0 : index
    %get3A_3 = tpu.vector_load %arg7[%get3A] {strides = array<i32>} : memref<64xf32, #tpu.memory_space<vmem>>, vector<16xf32>,
    %get3A_4 = vector.shape_cast %get3A_3 : vector<16xf32> to vector<16xf32>
    %get3A_5 = arith.constant 0 : index
    %get3A_6 = tpu.vector_load %arg8[%get3A_5] {strides = array<i32>} : memref<64xi32, #tpu.memory_space<vmem>>, vector<16xi32>,
    %get3A_7 = vector.shape_cast %get3A_6 : vector<16xi32> to vector<16xi32>
    %get3A_8 = arith.constant 0 : index
    %get3A_9 = tpu.vector_load %arg9[%get3A_8] {strides = array<i32>} : memref<64xf32, #tpu.memory_space<vmem>>, vector<16xf32>,
    %get3A_10 = vector.shape_cast %get3A_9 : vector<16xf32> to vector<16xf32>
    %gt3A = arith.constant 0.000000e+00 : f32
    %gt3A_11 = vector.broadcast %gt3A : f32 to vector<16xf32>
    %gt3A_12 = arith.cmpf ogt, %get3A_10, %gt3A_11 : vector<16xf32>
    %jit3A = arith.constant 0.000000e+00 : f32
    %jit3A_13 = arith.constant 1.000000e+00 : f32
    %broadcast_in_dim3A = vector.broadcast %jit3A : f32 to vector<16xf32>
    %broadcast_in_dim3A_14 = vector.broadcast %jit3A_13 : f32 to vector<16xf32>
    %select_n3A = arith.select %gt3A_12, %broadcast_in_dim3A, %broadcast_in_dim3A_14 : vector<16xi1>, vector<16xf32>
    %jit3A_15 = arith.constant 1.000000e+00 : f32
    %jit3A_16 = arith.constant 0.000000e+00 : f32
    %broadcast_in_dim3A_17 = vector.broadcast %jit3A_15 : f32 to vector<16xf32>
    %broadcast_in_dim3A_18 = vector.broadcast %jit3A_16 : f32 to vector<16xf32>
    %select_n3A_19 = arith.select %gt3A_12, %broadcast_in_dim3A_17, %broadcast_in_dim3A_18 : vector<16xi1>, vector<16xf32>
    %eq3A = arith.constant 0 : i32
    %eq3A_20 = vector.broadcast %eq3A : i32 to vector<16xi32>
    %eq3A_21 = arith.cmpi eq, %get3A_7, %eq3A_20 : vector<16xi32>
    %neg3A = arith.constant 0.000000e+00 : f32
    %neg3A_22 = vector.broadcast %neg3A : f32 to vector<16xf32>
    %neg3A_23 = arith.subf %neg3A_22, %get3A_4 : vector<16xf32>
    %eq3A_24 = arith.constant 4 : i32
    %eq3A_25 = vector.broadcast %eq3A_24 : i32 to vector<16xi32>
    %eq3A_26 = arith.cmpi eq, %get3A_7, %eq3A_25 : vector<16xi32>
    %div3A = arith.constant -9.99999997E-7 : f32
    %div3A_27 = vector.broadcast %div3A : f32 to vector<16xf32>
    %div3A_28 = arith.divf %div3A_27, %get3A_4 : vector<16xf32>
    %eq3A_29 = arith.constant 5 : i32
    %eq3A_30 = vector.broadcast %eq3A_29 : i32 to vector<16xi32>
    %eq3A_31 = arith.cmpi eq, %get3A_7, %eq3A_30 : vector<16xi32>
    %eq3A_32 = arith.constant 2 : i32
    %eq3A_33 = vector.broadcast %eq3A_32 : i32 to vector<16xi32>
    %eq3A_34 = arith.cmpi eq, %get3A_7, %eq3A_33 : vector<16xi32>
    %eq3A_35 = arith.constant 3 : i32
    %eq3A_36 = vector.broadcast %eq3A_35 : i32 to vector<16xi32>
    %eq3A_37 = arith.cmpi eq, %get3A_7, %eq3A_36 : vector<16xi32>
    %jit3A_38 = arith.constant 0.000000e+00 : f32
    %broadcast_in_dim3A_39 = vector.broadcast %jit3A_38 : f32 to vector<16xf32>
    %select_n3A_40 = arith.select %eq3A_37, %select_n3A, %broadcast_in_dim3A_39 : vector<16xi1>, vector<16xf32>
    %jit3A_41 = arith.constant 1.000000e+00 : f32
    %broadcast_in_dim3A_42 = vector.broadcast %jit3A_41 : f32 to vector<16xf32>
    %select_n3A_43 = arith.select %eq3A_34, %broadcast_in_dim3A_42, %select_n3A_40 : vector<16xi1>, vector<16xf32>
    %jit3A_44 = arith.constant 1.000000e+00 : f32
    %broadcast_in_dim3A_45 = vector.broadcast %jit3A_44 : f32 to vector<16xf32>
    %select_n3A_46 = arith.select %eq3A_31, %broadcast_in_dim3A_45, %select_n3A_43 : vector<16xi1>, vector<16xf32>
    %select_n3A_47 = arith.select %eq3A_26, %div3A_28, %select_n3A_46 : vector<16xi1>, vector<16xf32>
    %select_n3A_48 = arith.select %eq3A_21, %neg3A_23, %select_n3A_47 : vector<16xi1>, vector<16xf32>
    %swap3A = arith.constant 0 : index
    %swap3A_49 = tpu.vector_load %arg10[%swap3A] {strides = array<i32>} : memref<64xf32, #tpu.memory_space<vmem>>, vector<16xf32>,
    %swap3A_50 = vector.shape_cast %swap3A_49 : vector<16xf32> to vector<16xf32>
    %swap3A_51 = vector.shape_cast %select_n3A_48 : vector<16xf32> to vector<16xf32>
    tpu.vector_store %arg10[%swap3A], %swap3A_51 {strides = array<i32>} : memref<64xf32, #tpu.memory_space<vmem>>, vector<16xf32>,
    %eq3A_52 = arith.constant 0 : i32
    %eq3A_53 = vector.broadcast %eq3A_52 : i32 to vector<16xi32>
    %eq3A_54 = arith.cmpi eq, %get3A_7, %eq3A_53 : vector<16xi32>
    %eq3A_55 = arith.constant 4 : i32
    %eq3A_56 = vector.broadcast %eq3A_55 : i32 to vector<16xi32>
    %eq3A_57 = arith.cmpi eq, %get3A_7, %eq3A_56 : vector<16xi32>
    %eq3A_58 = arith.constant 5 : i32
    %eq3A_59 = vector.broadcast %eq3A_58 : i32 to vector<16xi32>
    %eq3A_60 = arith.cmpi eq, %get3A_7, %eq3A_59 : vector<16xi32>
    %div3A_61 = arith.constant -9.99999997E-7 : f32
    %div3A_62 = vector.broadcast %div3A_61 : f32 to vector<16xf32>
    %div3A_63 = arith.divf %div3A_62, %get3A_4 : vector<16xf32>
    %eq3A_64 = arith.constant 1 : i32
    %eq3A_65 = vector.broadcast %eq3A_64 : i32 to vector<16xi32>
    %eq3A_66 = arith.cmpi eq, %get3A_7, %eq3A_65 : vector<16xi32>
    %eq3A_67 = arith.constant 3 : i32
    %eq3A_68 = vector.broadcast %eq3A_67 : i32 to vector<16xi32>
    %eq3A_69 = arith.cmpi eq, %get3A_7, %eq3A_68 : vector<16xi32>
    %jit3A_70 = arith.constant 0.000000e+00 : f32
    %broadcast_in_dim3A_71 = vector.broadcast %jit3A_70 : f32 to vector<16xf32>
    %select_n3A_72 = arith.select %eq3A_69, %select_n3A_19, %broadcast_in_dim3A_71 : vector<16xi1>, vector<16xf32>
    %jit3A_73 = arith.constant 1.000000e+00 : f32
    %broadcast_in_dim3A_74 = vector.broadcast %jit3A_73 : f32 to vector<16xf32>
    %select_n3A_75 = arith.select %eq3A_66, %broadcast_in_dim3A_74, %select_n3A_72 : vector<16xi1>, vector<16xf32>
    %select_n3A_76 = arith.select %eq3A_60, %div3A_63, %select_n3A_75 : vector<16xi1>, vector<16xf32>
    %jit3A_77 = arith.constant 1.000000e+00 : f32
    %broadcast_in_dim3A_78 = vector.broadcast %jit3A_77 : f32 to vector<16xf32>
    %select_n3A_79 = arith.select %eq3A_57, %broadcast_in_dim3A_78, %select_n3A_76 : vector<16xi1>, vector<16xf32>
    %jit3A_80 = arith.constant 1.000000e+00 : f32
    %broadcast_in_dim3A_81 = vector.broadcast %jit3A_80 : f32 to vector<16xf32>
    %select_n3A_82 = arith.select %eq3A_54, %broadcast_in_dim3A_81, %select_n3A_79 : vector<16xi1>, vector<16xf32>
    %swap3A_83 = arith.constant 0 : index
    %swap3A_84 = tpu.vector_load %arg11[%swap3A_83] {strides = array<i32>} : memref<64xf32, #tpu.memory_space<vmem>>, vector<16xf32>,
    %swap3A_85 = vector.shape_cast %swap3A_84 : vector<16xf32> to vector<16xf32>
    %swap3A_86 = vector.shape_cast %select_n3A_82 : vector<16xf32> to vector<16xf32>
    tpu.vector_store %arg11[%swap3A_83], %swap3A_86 {strides = array<i32>} : memref<64xf32, #tpu.memory_space<vmem>>, vector<16xf32>,
    %get3A_87 = arith.constant 16 : index
    %get3A_88 = tpu.vector_load %arg7[%get3A_87] {strides = array<i32>} : memref<64xf32, #tpu.memory_space<vmem>>, vector<16xf32>,
    %get3A_89 = vector.shape_cast %get3A_88 : vector<16xf32> to vector<16xf32>
    %get3A_90 = arith.constant 16 : index
    %get3A_91 = tpu.vector_load %arg8[%get3A_90] {strides = array<i32>} : memref<64xi32, #tpu.memory_space<vmem>>, vector<16xi32>,
    %get3A_92 = vector.shape_cast %get3A_91 : vector<16xi32> to vector<16xi32>
    %get3A_93 = arith.constant 16 : index
    %get3A_94 = tpu.vector_load %arg9[%get3A_93] {strides = array<i32>} : memref<64xf32, #tpu.memory_space<vmem>>, vector<16xf32>,
    %get3A_95 = vector.shape_cast %get3A_94 : vector<16xf32> to vector<16xf32>
    %gt3A_96 = arith.constant 0.000000e+00 : f32
    %gt3A_97 = vector.broadcast %gt3A_96 : f32 to vector<16xf32>
    %gt3A_98 = arith.cmpf ogt, %get3A_95, %gt3A_97 : vector<16xf32>
    %jit3A_99 = arith.constant 0.000000e+00 : f32
    %jit3A_100 = arith.constant 1.000000e+00 : f32
    %broadcast_in_dim3A_101 = vector.broadcast %jit3A_99 : f32 to vector<16xf32>
    %broadcast_in_dim3A_102 = vector.broadcast %jit3A_100 : f32 to vector<16xf32>
    %select_n3A_103 = arith.select %gt3A_98, %broadcast_in_dim3A_101, %broadcast_in_dim3A_102 : vector<16xi1>, vector<16xf32>
    %jit3A_104 = arith.constant 1.000000e+00 : f32
    %jit3A_105 = arith.constant 0.000000e+00 : f32
    %broadcast_in_dim3A_106 = vector.broadcast %jit3A_104 : f32 to vector<16xf32>
    %broadcast_in_dim3A_107 = vector.broadcast %jit3A_105 : f32 to vector<16xf32>
    %select_n3A_108 = arith.select %gt3A_98, %broadcast_in_dim3A_106, %broadcast_in_dim3A_107 : vector<16xi1>, vector<16xf32>
    %eq3A_109 = arith.constant 0 : i32
    %eq3A_110 = vector.broadcast %eq3A_109 : i32 to vector<16xi32>
    %eq3A_111 = arith.cmpi eq, %get3A_92, %eq3A_110 : vector<16xi32>
    %neg3A_112 = arith.constant 0.000000e+00 : f32
    %neg3A_113 = vector.broadcast %neg3A_112 : f32 to vector<16xf32>
    %neg3A_114 = arith.subf %neg3A_113, %get3A_89 : vector<16xf32>
    %eq3A_115 = arith.constant 4 : i32
    %eq3A_116 = vector.broadcast %eq3A_115 : i32 to vector<16xi32>
    %eq3A_117 = arith.cmpi eq, %get3A_92, %eq3A_116 : vector<16xi32>
    %div3A_118 = arith.constant -9.99999997E-7 : f32
    %div3A_119 = vector.broadcast %div3A_118 : f32 to vector<16xf32>
    %div3A_120 = arith.divf %div3A_119, %get3A_89 : vector<16xf32>
    %eq3A_121 = arith.constant 5 : i32
    %eq3A_122 = vector.broadcast %eq3A_121 : i32 to vector<16xi32>
    %eq3A_123 = arith.cmpi eq, %get3A_92, %eq3A_122 : vector<16xi32>
    %eq3A_124 = arith.constant 2 : i32
    %eq3A_125 = vector.broadcast %eq3A_124 : i32 to vector<16xi32>
    %eq3A_126 = arith.cmpi eq, %get3A_92, %eq3A_125 : vector<16xi32>
    %eq3A_127 = arith.constant 3 : i32
    %eq3A_128 = vector.broadcast %eq3A_127 : i32 to vector<16xi32>
    %eq3A_129 = arith.cmpi eq, %get3A_92, %eq3A_128 : vector<16xi32>
    %jit3A_130 = arith.constant 0.000000e+00 : f32
    %broadcast_in_dim3A_131 = vector.broadcast %jit3A_130 : f32 to vector<16xf32>
    %select_n3A_132 = arith.select %eq3A_129, %select_n3A_103, %broadcast_in_dim3A_131 : vector<16xi1>, vector<16xf32>
    %jit3A_133 = arith.constant 1.000000e+00 : f32
    %broadcast_in_dim3A_134 = vector.broadcast %jit3A_133 : f32 to vector<16xf32>
    %select_n3A_135 = arith.select %eq3A_126, %broadcast_in_dim3A_134, %select_n3A_132 : vector<16xi1>, vector<16xf32>
    %jit3A_136 = arith.constant 1.000000e+00 : f32
    %broadcast_in_dim3A_137 = vector.broadcast %jit3A_136 : f32 to vector<16xf32>
    %select_n3A_138 = arith.select %eq3A_123, %broadcast_in_dim3A_137, %select_n3A_135 : vector<16xi1>, vector<16xf32>
    %select_n3A_139 = arith.select %eq3A_117, %div3A_120, %select_n3A_138 : vector<16xi1>, vector<16xf32>
    %select_n3A_140 = arith.select %eq3A_111, %neg3A_114, %select_n3A_139 : vector<16xi1>, vector<16xf32>
    %swap3A_141 = arith.constant 16 : index
    %swap3A_142 = tpu.vector_load %arg10[%swap3A_141] {strides = array<i32>} : memref<64xf32, #tpu.memory_space<vmem>>, vector<16xf32>,
    %swap3A_143 = vector.shape_cast %swap3A_142 : vector<16xf32> to vector<16xf32>
    %swap3A_144 = vector.shape_cast %select_n3A_140 : vector<16xf32> to vector<16xf32>
    tpu.vector_store %arg10[%swap3A_141], %swap3A_144 {strides = array<i32>} : memref<64xf32, #tpu.memory_space<vmem>>, vector<16xf32>,
    %eq3A_145 = arith.constant 0 : i32
    %eq3A_146 = vector.broadcast %eq3A_145 : i32 to vector<16xi32>
    %eq3A_147 = arith.cmpi eq, %get3A_92, %eq3A_146 : vector<16xi32>
    %eq3A_148 = arith.constant 4 : i32
    %eq3A_149 = vector.broadcast %eq3A_148 : i32 to vector<16xi32>
    %eq3A_150 = arith.cmpi eq, %get3A_92, %eq3A_149 : vector<16xi32>
    %eq3A_151 = arith.constant 5 : i32
    %eq3A_152 = vector.broadcast %eq3A_151 : i32 to vector<16xi32>
    %eq3A_153 = arith.cmpi eq, %get3A_92, %eq3A_152 : vector<16xi32>
    %div3A_154 = arith.constant -9.99999997E-7 : f32
    %div3A_155 = vector.broadcast %div3A_154 : f32 to vector<16xf32>
    %div3A_156 = arith.divf %div3A_155, %get3A_89 : vector<16xf32>
    %eq3A_157 = arith.constant 1 : i32
    %eq3A_158 = vector.broadcast %eq3A_157 : i32 to vector<16xi32>
    %eq3A_159 = arith.cmpi eq, %get3A_92, %eq3A_158 : vector<16xi32>
    %eq3A_160 = arith.constant 3 : i32
    %eq3A_161 = vector.broadcast %eq3A_160 : i32 to vector<16xi32>
    %eq3A_162 = arith.cmpi eq, %get3A_92, %eq3A_161 : vector<16xi32>
    %jit3A_163 = arith.constant 0.000000e+00 : f32
    %broadcast_in_dim3A_164 = vector.broadcast %jit3A_163 : f32 to vector<16xf32>
    %select_n3A_165 = arith.select %eq3A_162, %select_n3A_108, %broadcast_in_dim3A_164 : vector<16xi1>, vector<16xf32>
    %jit3A_166 = arith.constant 1.000000e+00 : f32
    %broadcast_in_dim3A_167 = vector.broadcast %jit3A_166 : f32 to vector<16xf32>
    %select_n3A_168 = arith.select %eq3A_159, %broadcast_in_dim3A_167, %select_n3A_165 : vector<16xi1>, vector<16xf32>
    %select_n3A_169 = arith.select %eq3A_153, %div3A_156, %select_n3A_168 : vector<16xi1>, vector<16xf32>
    %jit3A_170 = arith.constant 1.000000e+00 : f32
    %broadcast_in_dim3A_171 = vector.broadcast %jit3A_170 : f32 to vector<16xf32>
    %select_n3A_172 = arith.select %eq3A_150, %broadcast_in_dim3A_171, %select_n3A_169 : vector<16xi1>, vector<16xf32>
    %jit3A_173 = arith.constant 1.000000e+00 : f32
    %broadcast_in_dim3A_174 = vector.broadcast %jit3A_173 : f32 to vector<16xf32>
    %select_n3A_175 = arith.select %eq3A_147, %broadcast_in_dim3A_174, %select_n3A_172 : vector<16xi1>, vector<16xf32>
    %swap3A_176 = arith.constant 16 : index
    %swap3A_177 = tpu.vector_load %arg11[%swap3A_176] {strides = array<i32>} : memref<64xf32, #tpu.memory_space<vmem>>, vector<16xf32>,
    %swap3A_178 = vector.shape_cast %swap3A_177 : vector<16xf32> to vector<16xf32>
    %swap3A_179 = vector.shape_cast %select_n3A_175 : vector<16xf32> to vector<16xf32>
    tpu.vector_store %arg11[%swap3A_176], %swap3A_179 {strides = array<i32>} : memref<64xf32, #tpu.memory_space<vmem>>, vector<16xf32>,
    %get3A_180 = arith.constant 32 : index
    %get3A_181 = tpu.vector_load %arg7[%get3A_180] {strides = array<i32>} : memref<64xf32, #tpu.memory_space<vmem>>, vector<16xf32>,
    %get3A_182 = vector.shape_cast %get3A_181 : vector<16xf32> to vector<16xf32>
    %get3A_183 = arith.constant 32 : index
    %get3A_184 = tpu.vector_load %arg8[%get3A_183] {strides = array<i32>} : memref<64xi32, #tpu.memory_space<vmem>>, vector<16xi32>,
    %get3A_185 = vector.shape_cast %get3A_184 : vector<16xi32> to vector<16xi32>
    %get3A_186 = arith.constant 32 : index
    %get3A_187 = tpu.vector_load %arg9[%get3A_186] {strides = array<i32>} : memref<64xf32, #tpu.memory_space<vmem>>, vector<16xf32>,
    %get3A_188 = vector.shape_cast %get3A_187 : vector<16xf32> to vector<16xf32>
    %gt3A_189 = arith.constant 0.000000e+00 : f32
    %gt3A_190 = vector.broadcast %gt3A_189 : f32 to vector<16xf32>
    %gt3A_191 = arith.cmpf ogt, %get3A_188, %gt3A_190 : vector<16xf32>
    %jit3A_192 = arith.constant 0.000000e+00 : f32
    %jit3A_193 = arith.constant 1.000000e+00 : f32
    %broadcast_in_dim3A_194 = vector.broadcast %jit3A_192 : f32 to vector<16xf32>
    %broadcast_in_dim3A_195 = vector.broadcast %jit3A_193 : f32 to vector<16xf32>
    %select_n3A_196 = arith.select %gt3A_191, %broadcast_in_dim3A_194, %broadcast_in_dim3A_195 : vector<16xi1>, vector<16xf32>
    %jit3A_197 = arith.constant 1.000000e+00 : f32
    %jit3A_198 = arith.constant 0.000000e+00 : f32
    %broadcast_in_dim3A_199 = vector.broadcast %jit3A_197 : f32 to vector<16xf32>
    %broadcast_in_dim3A_200 = vector.broadcast %jit3A_198 : f32 to vector<16xf32>
    %select_n3A_201 = arith.select %gt3A_191, %broadcast_in_dim3A_199, %broadcast_in_dim3A_200 : vector<16xi1>, vector<16xf32>
    %eq3A_202 = arith.constant 0 : i32
    %eq3A_203 = vector.broadcast %eq3A_202 : i32 to vector<16xi32>
    %eq3A_204 = arith.cmpi eq, %get3A_185, %eq3A_203 : vector<16xi32>
    %neg3A_205 = arith.constant 0.000000e+00 : f32
    %neg3A_206 = vector.broadcast %neg3A_205 : f32 to vector<16xf32>
    %neg3A_207 = arith.subf %neg3A_206, %get3A_182 : vector<16xf32>
    %eq3A_208 = arith.constant 4 : i32
    %eq3A_209 = vector.broadcast %eq3A_208 : i32 to vector<16xi32>
    %eq3A_210 = arith.cmpi eq, %get3A_185, %eq3A_209 : vector<16xi32>
    %div3A_211 = arith.constant -9.99999997E-7 : f32
    %div3A_212 = vector.broadcast %div3A_211 : f32 to vector<16xf32>
    %div3A_213 = arith.divf %div3A_212, %get3A_182 : vector<16xf32>
    %eq3A_214 = arith.constant 5 : i32
    %eq3A_215 = vector.broadcast %eq3A_214 : i32 to vector<16xi32>
    %eq3A_216 = arith.cmpi eq, %get3A_185, %eq3A_215 : vector<16xi32>
    %eq3A_217 = arith.constant 2 : i32
    %eq3A_218 = vector.broadcast %eq3A_217 : i32 to vector<16xi32>
    %eq3A_219 = arith.cmpi eq, %get3A_185, %eq3A_218 : vector<16xi32>
    %eq3A_220 = arith.constant 3 : i32
    %eq3A_221 = vector.broadcast %eq3A_220 : i32 to vector<16xi32>
    %eq3A_222 = arith.cmpi eq, %get3A_185, %eq3A_221 : vector<16xi32>
    %jit3A_223 = arith.constant 0.000000e+00 : f32
    %broadcast_in_dim3A_224 = vector.broadcast %jit3A_223 : f32 to vector<16xf32>
    %select_n3A_225 = arith.select %eq3A_222, %select_n3A_196, %broadcast_in_dim3A_224 : vector<16xi1>, vector<16xf32>
    %jit3A_226 = arith.constant 1.000000e+00 : f32
    %broadcast_in_dim3A_227 = vector.broadcast %jit3A_226 : f32 to vector<16xf32>
    %select_n3A_228 = arith.select %eq3A_219, %broadcast_in_dim3A_227, %select_n3A_225 : vector<16xi1>, vector<16xf32>
    %jit3A_229 = arith.constant 1.000000e+00 : f32
    %broadcast_in_dim3A_230 = vector.broadcast %jit3A_229 : f32 to vector<16xf32>
    %select_n3A_231 = arith.select %eq3A_216, %broadcast_in_dim3A_230, %select_n3A_228 : vector<16xi1>, vector<16xf32>
    %select_n3A_232 = arith.select %eq3A_210, %div3A_213, %select_n3A_231 : vector<16xi1>, vector<16xf32>
    %select_n3A_233 = arith.select %eq3A_204, %neg3A_207, %select_n3A_232 : vector<16xi1>, vector<16xf32>
    %swap3A_234 = arith.constant 32 : index
    %swap3A_235 = tpu.vector_load %arg10[%swap3A_234] {strides = array<i32>} : memref<64xf32, #tpu.memory_space<vmem>>, vector<16xf32>,
    %swap3A_236 = vector.shape_cast %swap3A_235 : vector<16xf32> to vector<16xf32>
    %swap3A_237 = vector.shape_cast %select_n3A_233 : vector<16xf32> to vector<16xf32>
    tpu.vector_store %arg10[%swap3A_234], %swap3A_237 {strides = array<i32>} : memref<64xf32, #tpu.memory_space<vmem>>, vector<16xf32>,
    %eq3A_238 = arith.constant 0 : i32
    %eq3A_239 = vector.broadcast %eq3A_238 : i32 to vector<16xi32>
    %eq3A_240 = arith.cmpi eq, %get3A_185, %eq3A_239 : vector<16xi32>
    %eq3A_241 = arith.constant 4 : i32
    %eq3A_242 = vector.broadcast %eq3A_241 : i32 to vector<16xi32>
    %eq3A_243 = arith.cmpi eq, %get3A_185, %eq3A_242 : vector<16xi32>
    %eq3A_244 = arith.constant 5 : i32
    %eq3A_245 = vector.broadcast %eq3A_244 : i32 to vector<16xi32>
    %eq3A_246 = arith.cmpi eq, %get3A_185, %eq3A_245 : vector<16xi32>
    %div3A_247 = arith.constant -9.99999997E-7 : f32
    %div3A_248 = vector.broadcast %div3A_247 : f32 to vector<16xf32>
    %div3A_249 = arith.divf %div3A_248, %get3A_182 : vector<16xf32>
    %eq3A_250 = arith.constant 1 : i32
    %eq3A_251 = vector.broadcast %eq3A_250 : i32 to vector<16xi32>
    %eq3A_252 = arith.cmpi eq, %get3A_185, %eq3A_251 : vector<16xi32>
    %eq3A_253 = arith.constant 3 : i32
    %eq3A_254 = vector.broadcast %eq3A_253 : i32 to vector<16xi32>
    %eq3A_255 = arith.cmpi eq, %get3A_185, %eq3A_254 : vector<16xi32>
    %jit3A_256 = arith.constant 0.000000e+00 : f32
    %broadcast_in_dim3A_257 = vector.broadcast %jit3A_256 : f32 to vector<16xf32>
    %select_n3A_258 = arith.select %eq3A_255, %select_n3A_201, %broadcast_in_dim3A_257 : vector<16xi1>, vector<16xf32>
    %jit3A_259 = arith.constant 1.000000e+00 : f32
    %broadcast_in_dim3A_260 = vector.broadcast %jit3A_259 : f32 to vector<16xf32>
    %select_n3A_261 = arith.select %eq3A_252, %broadcast_in_dim3A_260, %select_n3A_258 : vector<16xi1>, vector<16xf32>
    %select_n3A_262 = arith.select %eq3A_246, %div3A_249, %select_n3A_261 : vector<16xi1>, vector<16xf32>
    %jit3A_263 = arith.constant 1.000000e+00 : f32
    %broadcast_in_dim3A_264 = vector.broadcast %jit3A_263 : f32 to vector<16xf32>
    %select_n3A_265 = arith.select %eq3A_243, %broadcast_in_dim3A_264, %select_n3A_262 : vector<16xi1>, vector<16xf32>
    %jit3A_266 = arith.constant 1.000000e+00 : f32
    %broadcast_in_dim3A_267 = vector.broadcast %jit3A_266 : f32 to vector<16xf32>
    %select_n3A_268 = arith.select %eq3A_240, %broadcast_in_dim3A_267, %select_n3A_265 : vector<16xi1>, vector<16xf32>
    %swap3A_269 = arith.constant 32 : index
    %swap3A_270 = tpu.vector_load %arg11[%swap3A_269] {strides = array<i32>} : memref<64xf32, #tpu.memory_space<vmem>>, vector<16xf32>,
    %swap3A_271 = vector.shape_cast %swap3A_270 : vector<16xf32> to vector<16xf32>
    %swap3A_272 = vector.shape_cast %select_n3A_268 : vector<16xf32> to vector<16xf32>
    tpu.vector_store %arg11[%swap3A_269], %swap3A_272 {strides = array<i32>} : memref<64xf32, #tpu.memory_space<vmem>>, vector<16xf32>,
    %get3A_273 = arith.constant 48 : index
    %get3A_274 = tpu.vector_load %arg7[%get3A_273] {strides = array<i32>} : memref<64xf32, #tpu.memory_space<vmem>>, vector<16xf32>,
    %get3A_275 = vector.shape_cast %get3A_274 : vector<16xf32> to vector<16xf32>
    %get3A_276 = arith.constant 48 : index
    %get3A_277 = tpu.vector_load %arg8[%get3A_276] {strides = array<i32>} : memref<64xi32, #tpu.memory_space<vmem>>, vector<16xi32>,
    %get3A_278 = vector.shape_cast %get3A_277 : vector<16xi32> to vector<16xi32>
    %get3A_279 = arith.constant 48 : index
    %get3A_280 = tpu.vector_load %arg9[%get3A_279] {strides = array<i32>} : memref<64xf32, #tpu.memory_space<vmem>>, vector<16xf32>,
    %get3A_281 = vector.shape_cast %get3A_280 : vector<16xf32> to vector<16xf32>
    %gt3A_282 = arith.constant 0.000000e+00 : f32
    %gt3A_283 = vector.broadcast %gt3A_282 : f32 to vector<16xf32>
    %gt3A_284 = arith.cmpf ogt, %get3A_281, %gt3A_283 : vector<16xf32>
    %jit3A_285 = arith.constant 0.000000e+00 : f32
    %jit3A_286 = arith.constant 1.000000e+00 : f32
    %broadcast_in_dim3A_287 = vector.broadcast %jit3A_285 : f32 to vector<16xf32>
    %broadcast_in_dim3A_288 = vector.broadcast %jit3A_286 : f32 to vector<16xf32>
    %select_n3A_289 = arith.select %gt3A_284, %broadcast_in_dim3A_287, %broadcast_in_dim3A_288 : vector<16xi1>, vector<16xf32>
    %jit3A_290 = arith.constant 1.000000e+00 : f32
    %jit3A_291 = arith.constant 0.000000e+00 : f32
    %broadcast_in_dim3A_292 = vector.broadcast %jit3A_290 : f32 to vector<16xf32>
    %broadcast_in_dim3A_293 = vector.broadcast %jit3A_291 : f32 to vector<16xf32>
    %select_n3A_294 = arith.select %gt3A_284, %broadcast_in_dim3A_292, %broadcast_in_dim3A_293 : vector<16xi1>, vector<16xf32>
    %eq3A_295 = arith.constant 0 : i32
    %eq3A_296 = vector.broadcast %eq3A_295 : i32 to vector<16xi32>
    %eq3A_297 = arith.cmpi eq, %get3A_278, %eq3A_296 : vector<16xi32>
    %neg3A_298 = arith.constant 0.000000e+00 : f32
    %neg3A_299 = vector.broadcast %neg3A_298 : f32 to vector<16xf32>
    %neg3A_300 = arith.subf %neg3A_299, %get3A_275 : vector<16xf32>
    %eq3A_301 = arith.constant 4 : i32
    %eq3A_302 = vector.broadcast %eq3A_301 : i32 to vector<16xi32>
    %eq3A_303 = arith.cmpi eq, %get3A_278, %eq3A_302 : vector<16xi32>
    %div3A_304 = arith.constant -9.99999997E-7 : f32
    %div3A_305 = vector.broadcast %div3A_304 : f32 to vector<16xf32>
    %div3A_306 = arith.divf %div3A_305, %get3A_275 : vector<16xf32>
    %eq3A_307 = arith.constant 5 : i32
    %eq3A_308 = vector.broadcast %eq3A_307 : i32 to vector<16xi32>
    %eq3A_309 = arith.cmpi eq, %get3A_278, %eq3A_308 : vector<16xi32>
    %eq3A_310 = arith.constant 2 : i32
    %eq3A_311 = vector.broadcast %eq3A_310 : i32 to vector<16xi32>
    %eq3A_312 = arith.cmpi eq, %get3A_278, %eq3A_311 : vector<16xi32>
    %eq3A_313 = arith.constant 3 : i32
    %eq3A_314 = vector.broadcast %eq3A_313 : i32 to vector<16xi32>
    %eq3A_315 = arith.cmpi eq, %get3A_278, %eq3A_314 : vector<16xi32>
    %jit3A_316 = arith.constant 0.000000e+00 : f32
    %broadcast_in_dim3A_317 = vector.broadcast %jit3A_316 : f32 to vector<16xf32>
    %select_n3A_318 = arith.select %eq3A_315, %select_n3A_289, %broadcast_in_dim3A_317 : vector<16xi1>, vector<16xf32>
    %jit3A_319 = arith.constant 1.000000e+00 : f32
    %broadcast_in_dim3A_320 = vector.broadcast %jit3A_319 : f32 to vector<16xf32>
    %select_n3A_321 = arith.select %eq3A_312, %broadcast_in_dim3A_320, %select_n3A_318 : vector<16xi1>, vector<16xf32>
    %jit3A_322 = arith.constant 1.000000e+00 : f32
    %broadcast_in_dim3A_323 = vector.broadcast %jit3A_322 : f32 to vector<16xf32>
    %select_n3A_324 = arith.select %eq3A_309, %broadcast_in_dim3A_323, %select_n3A_321 : vector<16xi1>, vector<16xf32>
    %select_n3A_325 = arith.select %eq3A_303, %div3A_306, %select_n3A_324 : vector<16xi1>, vector<16xf32>
    %select_n3A_326 = arith.select %eq3A_297, %neg3A_300, %select_n3A_325 : vector<16xi1>, vector<16xf32>
    %swap3A_327 = arith.constant 48 : index
    %swap3A_328 = tpu.vector_load %arg10[%swap3A_327] {strides = array<i32>} : memref<64xf32, #tpu.memory_space<vmem>>, vector<16xf32>,
    %swap3A_329 = vector.shape_cast %swap3A_328 : vector<16xf32> to vector<16xf32>
    %swap3A_330 = vector.shape_cast %select_n3A_326 : vector<16xf32> to vector<16xf32>
    tpu.vector_store %arg10[%swap3A_327], %swap3A_330 {strides = array<i32>} : memref<64xf32, #tpu.memory_space<vmem>>, vector<16xf32>,
    %eq3A_331 = arith.constant 0 : i32
    %eq3A_332 = vector.broadcast %eq3A_331 : i32 to vector<16xi32>
    %eq3A_333 = arith.cmpi eq, %get3A_278, %eq3A_332 : vector<16xi32>
    %eq3A_334 = arith.constant 4 : i32
    %eq3A_335 = vector.broadcast %eq3A_334 : i32 to vector<16xi32>
    %eq3A_336 = arith.cmpi eq, %get3A_278, %eq3A_335 : vector<16xi32>
    %eq3A_337 = arith.constant 5 : i32
    %eq3A_338 = vector.broadcast %eq3A_337 : i32 to vector<16xi32>
    %eq3A_339 = arith.cmpi eq, %get3A_278, %eq3A_338 : vector<16xi32>
    %div3A_340 = arith.constant -9.99999997E-7 : f32
    %div3A_341 = vector.broadcast %div3A_340 : f32 to vector<16xf32>
    %div3A_342 = arith.divf %div3A_341, %get3A_275 : vector<16xf32>
    %eq3A_343 = arith.constant 1 : i32
    %eq3A_344 = vector.broadcast %eq3A_343 : i32 to vector<16xi32>
    %eq3A_345 = arith.cmpi eq, %get3A_278, %eq3A_344 : vector<16xi32>
    %eq3A_346 = arith.constant 3 : i32
    %eq3A_347 = vector.broadcast %eq3A_346 : i32 to vector<16xi32>
    %eq3A_348 = arith.cmpi eq, %get3A_278, %eq3A_347 : vector<16xi32>
    %jit3A_349 = arith.constant 0.000000e+00 : f32
    %broadcast_in_dim3A_350 = vector.broadcast %jit3A_349 : f32 to vector<16xf32>
    %select_n3A_351 = arith.select %eq3A_348, %select_n3A_294, %broadcast_in_dim3A_350 : vector<16xi1>, vector<16xf32>
    %jit3A_352 = arith.constant 1.000000e+00 : f32
    %broadcast_in_dim3A_353 = vector.broadcast %jit3A_352 : f32 to vector<16xf32>
    %select_n3A_354 = arith.select %eq3A_345, %broadcast_in_dim3A_353, %select_n3A_351 : vector<16xi1>, vector<16xf32>
    %select_n3A_355 = arith.select %eq3A_339, %div3A_342, %select_n3A_354 : vector<16xi1>, vector<16xf32>
    %jit3A_356 = arith.constant 1.000000e+00 : f32
    %broadcast_in_dim3A_357 = vector.broadcast %jit3A_356 : f32 to vector<16xf32>
    %select_n3A_358 = arith.select %eq3A_336, %broadcast_in_dim3A_357, %select_n3A_355 : vector<16xi1>, vector<16xf32>
    %jit3A_359 = arith.constant 1.000000e+00 : f32
    %broadcast_in_dim3A_360 = vector.broadcast %jit3A_359 : f32 to vector<16xf32>
    %select_n3A_361 = arith.select %eq3A_333, %broadcast_in_dim3A_360, %select_n3A_358 : vector<16xi1>, vector<16xf32>
    %swap3A_362 = arith.constant 48 : index
    %swap3A_363 = tpu.vector_load %arg11[%swap3A_362] {strides = array<i32>} : memref<64xf32, #tpu.memory_space<vmem>>, vector<16xf32>,
    %swap3A_364 = vector.shape_cast %swap3A_363 : vector<16xf32> to vector<16xf32>
    %swap3A_365 = vector.shape_cast %select_n3A_361 : vector<16xf32> to vector<16xf32>
    tpu.vector_store %arg11[%swap3A_362], %swap3A_365 {strides = array<i32>} : memref<64xf32, #tpu.memory_space<vmem>>, vector<16xf32>,
    "tpu.region"() ({
      %run_scoped3A = tpu.sem_alloc : memref<!tpu.dma_semaphore, #tpu.memory_space<semaphore_mem>>
      %dma_start3A = tpu.memref_slice %arg5[%mul3A_2] : memref<2048xf32, #tpu.memory_space<hbm>> -> memref<64xf32, #tpu.memory_space<hbm>>
      %dma_start3A_366 = tpu.memref_slice %arg5[%mul3A_2] : memref<2048xf32, #tpu.memory_space<hbm>> -> memref<64xf32, #tpu.memory_space<hbm>>
      tpu.enqueue_dma source(%arg10 : memref<64xf32, #tpu.memory_space<vmem>>) target(%dma_start3A_366 : memref<64xf32, #tpu.memory_space<hbm>>) target_semaphore(%run_scoped3A : memref<!tpu.dma_semaphore, #tpu.memory_space<semaphore_mem>>)
      %dma_wait3A = tpu.memref_slice %arg5[%mul3A_2] : memref<2048xf32, #tpu.memory_space<hbm>> -> memref<64xf32, #tpu.memory_space<hbm>>
      %dma_wait3A_367 = tpu.memref_slice %arg5[%mul3A_2] : memref<2048xf32, #tpu.memory_space<hbm>> -> memref<64xf32, #tpu.memory_space<hbm>>
      tpu.wait_dma2 semaphore(%run_scoped3A : memref<!tpu.dma_semaphore, #tpu.memory_space<semaphore_mem>>) src(%arg10 : memref<64xf32, #tpu.memory_space<vmem>>) dst(%dma_wait3A_367 : memref<64xf32, #tpu.memory_space<hbm>>)
      tpu.yield
    }) : () -> ()
    "tpu.region"() ({
      %run_scoped3A = tpu.sem_alloc : memref<!tpu.dma_semaphore, #tpu.memory_space<semaphore_mem>>
      %dma_start3A = tpu.memref_slice %arg6[%mul3A_2] : memref<2048xf32, #tpu.memory_space<hbm>> -> memref<64xf32, #tpu.memory_space<hbm>>
      %dma_start3A_366 = tpu.memref_slice %arg6[%mul3A_2] : memref<2048xf32, #tpu.memory_space<hbm>> -> memref<64xf32, #tpu.memory_space<hbm>>
      tpu.enqueue_dma source(%arg11 : memref<64xf32, #tpu.memory_space<vmem>>) target(%dma_start3A_366 : memref<64xf32, #tpu.memory_space<hbm>>) target_semaphore(%run_scoped3A : memref<!tpu.dma_semaphore, #tpu.memory_space<semaphore_mem>>)
      %dma_wait3A = tpu.memref_slice %arg6[%mul3A_2] : memref<2048xf32, #tpu.memory_space<hbm>> -> memref<64xf32, #tpu.memory_space<hbm>>
      %dma_wait3A_367 = tpu.memref_slice %arg6[%mul3A_2] : memref<2048xf32, #tpu.memory_space<hbm>> -> memref<64xf32, #tpu.memory_space<hbm>>
      tpu.wait_dma2 semaphore(%run_scoped3A : memref<!tpu.dma_semaphore, #tpu.memory_space<semaphore_mem>>) src(%arg11 : memref<64xf32, #tpu.memory_space<vmem>>) dst(%dma_wait3A_367 : memref<64xf32, #tpu.memory_space<hbm>>)
      tpu.yield
    }) : () -> ()
    return
  }
}

module attributes {stable_mosaic.version = 14 : i64} {
  func.func @_band_kernel(%arg0: i32, %arg1: memref<1024x2048xf32, #tpu.memory_space<any>>, %arg2: memref<1x2048xf32, #tpu.memory_space<vmem>>, %arg3: memref<1x2048xf32, #tpu.memory_space<vmem>>, %arg4: memref<512x5120xf32, #tpu.memory_space<vmem>>, %arg5: memref<1024x2048xf32, #tpu.memory_space<vmem>>, %arg6: memref<!tpu.dma_semaphore, #tpu.memory_space<semaphore_mem>>) attributes {dimension_semantics = [#tpu.dimension_semantics<arbitrary>], iteration_bounds = array<i64: 10>, scalar_prefetch = 0 : i64, scratch_operands = 2 : i64, tpu.core_type = #tpu.core_type<tc>, window_params = [{}, {pipeline_mode = #tpu.pipeline_mode<synchronous>, transform_indices = @transform_1, window_bounds = array<i64: 1, 2048>}, {pipeline_mode = #tpu.pipeline_mode<synchronous>, transform_indices = @transform_2, window_bounds = array<i64: 1, 2048>}, {transform_indices = @transform_3, window_bounds = array<i64: 512, 5120>}]} {
    %eq3A = arith.constant 0 : i32
    %eq3A_0 = arith.cmpi eq, %arg0, %eq3A : i32
    %convert_element_type3A = arith.extui %eq3A_0 : i1 to i32
    %cond3A = arith.constant 0 : i32
    %cond3A_1 = arith.cmpi ne, %convert_element_type3A, %cond3A : i32
    scf.if %cond3A_1 {
      tpu.enqueue_dma source(%arg1 : memref<1024x2048xf32, #tpu.memory_space<any>>) target(%arg5 : memref<1024x2048xf32, #tpu.memory_space<vmem>>) target_semaphore(%arg6 : memref<!tpu.dma_semaphore, #tpu.memory_space<semaphore_mem>>)
    } else {
    }
    %eq3A_2 = arith.constant 4 : i32
    %eq3A_3 = arith.cmpi eq, %arg0, %eq3A_2 : i32
    %convert_element_type3A_4 = arith.extui %eq3A_3 : i1 to i32
    %cond3A_5 = arith.constant 0 : i32
    %cond3A_6 = arith.cmpi ne, %convert_element_type3A_4, %cond3A_5 : i32
    scf.if %cond3A_6 {
      tpu.wait_dma2 semaphore(%arg6 : memref<!tpu.dma_semaphore, #tpu.memory_space<semaphore_mem>>) src(%arg1 : memref<1024x2048xf32, #tpu.memory_space<any>>) dst(%arg5 : memref<1024x2048xf32, #tpu.memory_space<vmem>>)
    } else {
    }
    %lt3A = arith.constant 4 : i32
    %lt3A_7 = arith.cmpi slt, %arg0, %lt3A : i32
    %convert_element_type3A_8 = arith.extui %lt3A_7 : i1 to i32
    %cond3A_9 = arith.constant 0 : i32
    %cond3A_10 = arith.cmpi ne, %convert_element_type3A_8, %cond3A_9 : i32
    scf.if %cond3A_10 {
      %mul3A = arith.constant 512 : i32
      %mul3A_41 = arith.muli %arg0, %mul3A : i32
      %iota3A = tpu.iota {dimensions = array<i32: 0>} : vector<512x2048xi32>
      %iota3A_42 = tpu.iota {dimensions = array<i32: 1>} : vector<512x2048xi32>
      %add3A = vector.broadcast %mul3A_41 : i32 to vector<512x2048xi32>
      %add3A_43 = arith.addi %iota3A, %add3A : vector<512x2048xi32>
      %eq3A_44 = arith.cmpi eq, %iota3A_42, %add3A_43 : vector<512x2048xi32>
      %get3A = arith.constant 0 : index
      %get3A_45 = arith.constant 0 : index
      %get3A_46 = vector.load %arg2[%get3A, %get3A_45] : memref<1x2048xf32, #tpu.memory_space<vmem>>, vector<1x2048xf32>
      %jit3A = arith.constant 0.000000e+00 : f32
      %broadcast_in_dim3A = vector.shape_cast %get3A_46 : vector<1x2048xf32> to vector<1x2048xf32>
      %broadcast_in_dim3A_47 = vector.broadcast %broadcast_in_dim3A : vector<1x2048xf32> to vector<512x2048xf32>
      %broadcast_in_dim3A_48 = vector.broadcast %jit3A : f32 to vector<512x2048xf32>
      %select_n3A = arith.select %eq3A_44, %broadcast_in_dim3A_47, %broadcast_in_dim3A_48 : vector<512x2048xi1>, vector<512x2048xf32>
      %swap3A = arith.constant 0 : index
      %swap3A_49 = arith.constant 0 : index
      %swap3A_50 = vector.load %arg4[%swap3A, %swap3A_49] : memref<512x5120xf32, #tpu.memory_space<vmem>>, vector<512x2048xf32>
      tpu.vector_store %arg4[%swap3A, %swap3A_49], %select_n3A {strides = array<i32>} : memref<512x5120xf32, #tpu.memory_space<vmem>>, vector<512x2048xf32>,
      %get3A_51 = arith.constant 0 : index
      %get3A_52 = arith.constant 0 : index
      %get3A_53 = vector.load %arg3[%get3A_51, %get3A_52] : memref<1x2048xf32, #tpu.memory_space<vmem>>, vector<1x2048xf32>
      %jit3A_54 = arith.constant 0.000000e+00 : f32
      %broadcast_in_dim3A_55 = vector.shape_cast %get3A_53 : vector<1x2048xf32> to vector<1x2048xf32>
      %broadcast_in_dim3A_56 = vector.broadcast %broadcast_in_dim3A_55 : vector<1x2048xf32> to vector<512x2048xf32>
      %broadcast_in_dim3A_57 = vector.broadcast %jit3A_54 : f32 to vector<512x2048xf32>
      %select_n3A_58 = arith.select %eq3A_44, %broadcast_in_dim3A_56, %broadcast_in_dim3A_57 : vector<512x2048xi1>, vector<512x2048xf32>
      %swap3A_59 = arith.constant 0 : index
      %swap3A_60 = arith.constant 2048 : index
      %swap3A_61 = vector.load %arg4[%swap3A_59, %swap3A_60] : memref<512x5120xf32, #tpu.memory_space<vmem>>, vector<512x2048xf32>
      tpu.vector_store %arg4[%swap3A_59, %swap3A_60], %select_n3A_58 {strides = array<i32>} : memref<512x5120xf32, #tpu.memory_space<vmem>>, vector<512x2048xf32>,
      %broadcast_in_dim3A_62 = arith.constant 0.000000e+00 : f32
      %broadcast_in_dim3A_63 = vector.broadcast %broadcast_in_dim3A_62 : f32 to vector<512x1024xf32>
      %swap3A_64 = arith.constant 0 : index
      %swap3A_65 = arith.constant 4096 : index
      %swap3A_66 = vector.load %arg4[%swap3A_64, %swap3A_65] : memref<512x5120xf32, #tpu.memory_space<vmem>>, vector<512x1024xf32>
      tpu.vector_store %arg4[%swap3A_64, %swap3A_65], %broadcast_in_dim3A_63 {strides = array<i32>} : memref<512x5120xf32, #tpu.memory_space<vmem>>, vector<512x1024xf32>,
    } else {
    }
    %eq3A_11 = arith.constant 4 : i32
    %eq3A_12 = arith.cmpi eq, %arg0, %eq3A_11 : i32
    %convert_element_type3A_13 = arith.extui %eq3A_12 : i1 to i32
    %cond3A_14 = arith.constant 0 : i32
    %cond3A_15 = arith.cmpi ne, %convert_element_type3A_13, %cond3A_14 : i32
    scf.if %cond3A_15 {
      %iota3A = tpu.iota {dimensions = array<i32: 0>} : vector<512x2048xi32>
      %iota3A_41 = tpu.iota {dimensions = array<i32: 1>} : vector<512x2048xi32>
      %broadcast_in_dim3A = arith.constant 0.000000e+00 : f32
      %broadcast_in_dim3A_42 = vector.broadcast %broadcast_in_dim3A : f32 to vector<512x2048xf32>
      %swap3A = arith.constant 0 : index
      %swap3A_43 = arith.constant 0 : index
      %swap3A_44 = vector.load %arg4[%swap3A, %swap3A_43] : memref<512x5120xf32, #tpu.memory_space<vmem>>, vector<512x2048xf32>
      tpu.vector_store %arg4[%swap3A, %swap3A_43], %broadcast_in_dim3A_42 {strides = array<i32>} : memref<512x5120xf32, #tpu.memory_space<vmem>>, vector<512x2048xf32>,
      %add3A = arith.constant 0 : i32
      %add3A_45 = vector.broadcast %add3A : i32 to vector<512x2048xi32>
      %add3A_46 = arith.addi %iota3A, %add3A_45 : vector<512x2048xi32>
      %eq3A_47 = arith.cmpi eq, %iota3A_41, %add3A_46 : vector<512x2048xi32>
      %jit3A = arith.constant 1.000000e+00 : f32
      %jit3A_48 = arith.constant 0.000000e+00 : f32
      %broadcast_in_dim3A_49 = vector.broadcast %jit3A : f32 to vector<512x2048xf32>
      %broadcast_in_dim3A_50 = vector.broadcast %jit3A_48 : f32 to vector<512x2048xf32>
      %select_n3A = arith.select %eq3A_47, %broadcast_in_dim3A_49, %broadcast_in_dim3A_50 : vector<512x2048xi1>, vector<512x2048xf32>
      %swap3A_51 = arith.constant 0 : index
      %swap3A_52 = arith.constant 2048 : index
      %swap3A_53 = vector.load %arg4[%swap3A_51, %swap3A_52] : memref<512x5120xf32, #tpu.memory_space<vmem>>, vector<512x2048xf32>
      tpu.vector_store %arg4[%swap3A_51, %swap3A_52], %select_n3A {strides = array<i32>} : memref<512x5120xf32, #tpu.memory_space<vmem>>, vector<512x2048xf32>,
      %get3A = arith.constant 0 : index
      %get3A_54 = arith.constant 0 : index
      %get3A_55 = vector.load %arg5[%get3A, %get3A_54] : memref<1024x2048xf32, #tpu.memory_space<vmem>>, vector<1024x512xf32>
      %transpose3A = tpu.transpose %get3A_55, [1, 0] : vector<1024x512xf32> -> vector<512x1024xf32>
      %neg3A = arith.constant 0.000000e+00 : f32
      %neg3A_56 = vector.broadcast %neg3A : f32 to vector<512x1024xf32>
      %neg3A_57 = arith.subf %neg3A_56, %transpose3A : vector<512x1024xf32>
      %swap3A_58 = arith.constant 0 : index
      %swap3A_59 = arith.constant 4096 : index
      %swap3A_60 = vector.load %arg4[%swap3A_58, %swap3A_59] : memref<512x5120xf32, #tpu.memory_space<vmem>>, vector<512x1024xf32>
      tpu.vector_store %arg4[%swap3A_58, %swap3A_59], %neg3A_57 {strides = array<i32>} : memref<512x5120xf32, #tpu.memory_space<vmem>>, vector<512x1024xf32>,
    } else {
    }
    %eq3A_16 = arith.constant 5 : i32
    %eq3A_17 = arith.cmpi eq, %arg0, %eq3A_16 : i32
    %convert_element_type3A_18 = arith.extui %eq3A_17 : i1 to i32
    %cond3A_19 = arith.constant 0 : i32
    %cond3A_20 = arith.cmpi ne, %convert_element_type3A_18, %cond3A_19 : i32
    scf.if %cond3A_20 {
      %iota3A = tpu.iota {dimensions = array<i32: 0>} : vector<512x2048xi32>
      %iota3A_41 = tpu.iota {dimensions = array<i32: 1>} : vector<512x2048xi32>
      %broadcast_in_dim3A = arith.constant 0.000000e+00 : f32
      %broadcast_in_dim3A_42 = vector.broadcast %broadcast_in_dim3A : f32 to vector<512x2048xf32>
      %swap3A = arith.constant 0 : index
      %swap3A_43 = arith.constant 0 : index
      %swap3A_44 = vector.load %arg4[%swap3A, %swap3A_43] : memref<512x5120xf32, #tpu.memory_space<vmem>>, vector<512x2048xf32>
      tpu.vector_store %arg4[%swap3A, %swap3A_43], %broadcast_in_dim3A_42 {strides = array<i32>} : memref<512x5120xf32, #tpu.memory_space<vmem>>, vector<512x2048xf32>,
      %add3A = arith.constant 512 : i32
      %add3A_45 = vector.broadcast %add3A : i32 to vector<512x2048xi32>
      %add3A_46 = arith.addi %iota3A, %add3A_45 : vector<512x2048xi32>
      %eq3A_47 = arith.cmpi eq, %iota3A_41, %add3A_46 : vector<512x2048xi32>
      %jit3A = arith.constant 1.000000e+00 : f32
      %jit3A_48 = arith.constant 0.000000e+00 : f32
      %broadcast_in_dim3A_49 = vector.broadcast %jit3A : f32 to vector<512x2048xf32>
      %broadcast_in_dim3A_50 = vector.broadcast %jit3A_48 : f32 to vector<512x2048xf32>
      %select_n3A = arith.select %eq3A_47, %broadcast_in_dim3A_49, %broadcast_in_dim3A_50 : vector<512x2048xi1>, vector<512x2048xf32>
      %swap3A_51 = arith.constant 0 : index
      %swap3A_52 = arith.constant 2048 : index
      %swap3A_53 = vector.load %arg4[%swap3A_51, %swap3A_52] : memref<512x5120xf32, #tpu.memory_space<vmem>>, vector<512x2048xf32>
      tpu.vector_store %arg4[%swap3A_51, %swap3A_52], %select_n3A {strides = array<i32>} : memref<512x5120xf32, #tpu.memory_space<vmem>>, vector<512x2048xf32>,
      %get3A = arith.constant 0 : index
      %get3A_54 = arith.constant 512 : index
      %get3A_55 = vector.load %arg5[%get3A, %get3A_54] : memref<1024x2048xf32, #tpu.memory_space<vmem>>, vector<1024x512xf32>
      %transpose3A = tpu.transpose %get3A_55, [1, 0] : vector<1024x512xf32> -> vector<512x1024xf32>
      %neg3A = arith.constant 0.000000e+00 : f32
      %neg3A_56 = vector.broadcast %neg3A : f32 to vector<512x1024xf32>
      %neg3A_57 = arith.subf %neg3A_56, %transpose3A : vector<512x1024xf32>
      %swap3A_58 = arith.constant 0 : index
      %swap3A_59 = arith.constant 4096 : index
      %swap3A_60 = vector.load %arg4[%swap3A_58, %swap3A_59] : memref<512x5120xf32, #tpu.memory_space<vmem>>, vector<512x1024xf32>
      tpu.vector_store %arg4[%swap3A_58, %swap3A_59], %neg3A_57 {strides = array<i32>} : memref<512x5120xf32, #tpu.memory_space<vmem>>, vector<512x1024xf32>,
    } else {
    }
    %eq3A_21 = arith.constant 6 : i32
    %eq3A_22 = arith.cmpi eq, %arg0, %eq3A_21 : i32
    %convert_element_type3A_23 = arith.extui %eq3A_22 : i1 to i32
    %cond3A_24 = arith.constant 0 : i32
    %cond3A_25 = arith.cmpi ne, %convert_element_type3A_23, %cond3A_24 : i32
    scf.if %cond3A_25 {
      %iota3A = tpu.iota {dimensions = array<i32: 0>} : vector<512x2048xi32>
      %iota3A_41 = tpu.iota {dimensions = array<i32: 1>} : vector<512x2048xi32>
      %broadcast_in_dim3A = arith.constant 0.000000e+00 : f32
      %broadcast_in_dim3A_42 = vector.broadcast %broadcast_in_dim3A : f32 to vector<512x2048xf32>
      %swap3A = arith.constant 0 : index
      %swap3A_43 = arith.constant 0 : index
      %swap3A_44 = vector.load %arg4[%swap3A, %swap3A_43] : memref<512x5120xf32, #tpu.memory_space<vmem>>, vector<512x2048xf32>
      tpu.vector_store %arg4[%swap3A, %swap3A_43], %broadcast_in_dim3A_42 {strides = array<i32>} : memref<512x5120xf32, #tpu.memory_space<vmem>>, vector<512x2048xf32>,
      %add3A = arith.constant 1024 : i32
      %add3A_45 = vector.broadcast %add3A : i32 to vector<512x2048xi32>
      %add3A_46 = arith.addi %iota3A, %add3A_45 : vector<512x2048xi32>
      %eq3A_47 = arith.cmpi eq, %iota3A_41, %add3A_46 : vector<512x2048xi32>
      %jit3A = arith.constant 1.000000e+00 : f32
      %jit3A_48 = arith.constant 0.000000e+00 : f32
      %broadcast_in_dim3A_49 = vector.broadcast %jit3A : f32 to vector<512x2048xf32>
      %broadcast_in_dim3A_50 = vector.broadcast %jit3A_48 : f32 to vector<512x2048xf32>
      %select_n3A = arith.select %eq3A_47, %broadcast_in_dim3A_49, %broadcast_in_dim3A_50 : vector<512x2048xi1>, vector<512x2048xf32>
      %swap3A_51 = arith.constant 0 : index
      %swap3A_52 = arith.constant 2048 : index
      %swap3A_53 = vector.load %arg4[%swap3A_51, %swap3A_52] : memref<512x5120xf32, #tpu.memory_space<vmem>>, vector<512x2048xf32>
      tpu.vector_store %arg4[%swap3A_51, %swap3A_52], %select_n3A {strides = array<i32>} : memref<512x5120xf32, #tpu.memory_space<vmem>>, vector<512x2048xf32>,
      %get3A = arith.constant 0 : index
      %get3A_54 = arith.constant 1024 : index
      %get3A_55 = vector.load %arg5[%get3A, %get3A_54] : memref<1024x2048xf32, #tpu.memory_space<vmem>>, vector<1024x512xf32>
      %transpose3A = tpu.transpose %get3A_55, [1, 0] : vector<1024x512xf32> -> vector<512x1024xf32>
      %neg3A = arith.constant 0.000000e+00 : f32
      %neg3A_56 = vector.broadcast %neg3A : f32 to vector<512x1024xf32>
      %neg3A_57 = arith.subf %neg3A_56, %transpose3A : vector<512x1024xf32>
      %swap3A_58 = arith.constant 0 : index
      %swap3A_59 = arith.constant 4096 : index
      %swap3A_60 = vector.load %arg4[%swap3A_58, %swap3A_59] : memref<512x5120xf32, #tpu.memory_space<vmem>>, vector<512x1024xf32>
      tpu.vector_store %arg4[%swap3A_58, %swap3A_59], %neg3A_57 {strides = array<i32>} : memref<512x5120xf32, #tpu.memory_space<vmem>>, vector<512x1024xf32>,
    } else {
    }
    %eq3A_26 = arith.constant 7 : i32
    %eq3A_27 = arith.cmpi eq, %arg0, %eq3A_26 : i32
    %convert_element_type3A_28 = arith.extui %eq3A_27 : i1 to i32
    %cond3A_29 = arith.constant 0 : i32
    %cond3A_30 = arith.cmpi ne, %convert_element_type3A_28, %cond3A_29 : i32
    scf.if %cond3A_30 {
      %iota3A = tpu.iota {dimensions = array<i32: 0>} : vector<512x2048xi32>
      %iota3A_41 = tpu.iota {dimensions = array<i32: 1>} : vector<512x2048xi32>
      %broadcast_in_dim3A = arith.constant 0.000000e+00 : f32
      %broadcast_in_dim3A_42 = vector.broadcast %broadcast_in_dim3A : f32 to vector<512x2048xf32>
      %swap3A = arith.constant 0 : index
      %swap3A_43 = arith.constant 0 : index
      %swap3A_44 = vector.load %arg4[%swap3A, %swap3A_43] : memref<512x5120xf32, #tpu.memory_space<vmem>>, vector<512x2048xf32>
      tpu.vector_store %arg4[%swap3A, %swap3A_43], %broadcast_in_dim3A_42 {strides = array<i32>} : memref<512x5120xf32, #tpu.memory_space<vmem>>, vector<512x2048xf32>,
      %add3A = arith.constant 1536 : i32
      %add3A_45 = vector.broadcast %add3A : i32 to vector<512x2048xi32>
      %add3A_46 = arith.addi %iota3A, %add3A_45 : vector<512x2048xi32>
      %eq3A_47 = arith.cmpi eq, %iota3A_41, %add3A_46 : vector<512x2048xi32>
      %jit3A = arith.constant 1.000000e+00 : f32
      %jit3A_48 = arith.constant 0.000000e+00 : f32
      %broadcast_in_dim3A_49 = vector.broadcast %jit3A : f32 to vector<512x2048xf32>
      %broadcast_in_dim3A_50 = vector.broadcast %jit3A_48 : f32 to vector<512x2048xf32>
      %select_n3A = arith.select %eq3A_47, %broadcast_in_dim3A_49, %broadcast_in_dim3A_50 : vector<512x2048xi1>, vector<512x2048xf32>
      %swap3A_51 = arith.constant 0 : index
      %swap3A_52 = arith.constant 2048 : index
      %swap3A_53 = vector.load %arg4[%swap3A_51, %swap3A_52] : memref<512x5120xf32, #tpu.memory_space<vmem>>, vector<512x2048xf32>
      tpu.vector_store %arg4[%swap3A_51, %swap3A_52], %select_n3A {strides = array<i32>} : memref<512x5120xf32, #tpu.memory_space<vmem>>, vector<512x2048xf32>,
      %get3A = arith.constant 0 : index
      %get3A_54 = arith.constant 1536 : index
      %get3A_55 = vector.load %arg5[%get3A, %get3A_54] : memref<1024x2048xf32, #tpu.memory_space<vmem>>, vector<1024x512xf32>
      %transpose3A = tpu.transpose %get3A_55, [1, 0] : vector<1024x512xf32> -> vector<512x1024xf32>
      %neg3A = arith.constant 0.000000e+00 : f32
      %neg3A_56 = vector.broadcast %neg3A : f32 to vector<512x1024xf32>
      %neg3A_57 = arith.subf %neg3A_56, %transpose3A : vector<512x1024xf32>
      %swap3A_58 = arith.constant 0 : index
      %swap3A_59 = arith.constant 4096 : index
      %swap3A_60 = vector.load %arg4[%swap3A_58, %swap3A_59] : memref<512x5120xf32, #tpu.memory_space<vmem>>, vector<512x1024xf32>
      tpu.vector_store %arg4[%swap3A_58, %swap3A_59], %neg3A_57 {strides = array<i32>} : memref<512x5120xf32, #tpu.memory_space<vmem>>, vector<512x1024xf32>,
    } else {
    }
    %eq3A_31 = arith.constant 8 : i32
    %eq3A_32 = arith.cmpi eq, %arg0, %eq3A_31 : i32
    %convert_element_type3A_33 = arith.extui %eq3A_32 : i1 to i32
    %cond3A_34 = arith.constant 0 : i32
    %cond3A_35 = arith.cmpi ne, %convert_element_type3A_33, %cond3A_34 : i32
    scf.if %cond3A_35 {
      %get3A = arith.constant 0 : index
      %get3A_41 = arith.constant 0 : index
      %get3A_42 = vector.load %arg5[%get3A, %get3A_41] : memref<1024x2048xf32, #tpu.memory_space<vmem>>, vector<512x2048xf32>
      %swap3A = arith.constant 0 : index
      %swap3A_43 = arith.constant 0 : index
      %swap3A_44 = vector.load %arg4[%swap3A, %swap3A_43] : memref<512x5120xf32, #tpu.memory_space<vmem>>, vector<512x2048xf32>
      tpu.vector_store %arg4[%swap3A, %swap3A_43], %get3A_42 {strides = array<i32>} : memref<512x5120xf32, #tpu.memory_space<vmem>>, vector<512x2048xf32>,
      %broadcast_in_dim3A = arith.constant 0.000000e+00 : f32
      %broadcast_in_dim3A_45 = vector.broadcast %broadcast_in_dim3A : f32 to vector<512x3072xf32>
      %swap3A_46 = arith.constant 0 : index
      %swap3A_47 = arith.constant 2048 : index
      %swap3A_48 = vector.load %arg4[%swap3A_46, %swap3A_47] : memref<512x5120xf32, #tpu.memory_space<vmem>>, vector<512x3072xf32>
      tpu.vector_store %arg4[%swap3A_46, %swap3A_47], %broadcast_in_dim3A_45 {strides = array<i32>} : memref<512x5120xf32, #tpu.memory_space<vmem>>, vector<512x3072xf32>,
    } else {
    }
    %eq3A_36 = arith.constant 9 : i32
    %eq3A_37 = arith.cmpi eq, %arg0, %eq3A_36 : i32
    %convert_element_type3A_38 = arith.extui %eq3A_37 : i1 to i32
    %cond3A_39 = arith.constant 0 : i32
    %cond3A_40 = arith.cmpi ne, %convert_element_type3A_38, %cond3A_39 : i32
    scf.if %cond3A_40 {
      %get3A = arith.constant 512 : index
      %get3A_41 = arith.constant 0 : index
      %get3A_42 = vector.load %arg5[%get3A, %get3A_41] : memref<1024x2048xf32, #tpu.memory_space<vmem>>, vector<512x2048xf32>
      %swap3A = arith.constant 0 : index
      %swap3A_43 = arith.constant 0 : index
      %swap3A_44 = vector.load %arg4[%swap3A, %swap3A_43] : memref<512x5120xf32, #tpu.memory_space<vmem>>, vector<512x2048xf32>
      tpu.vector_store %arg4[%swap3A, %swap3A_43], %get3A_42 {strides = array<i32>} : memref<512x5120xf32, #tpu.memory_space<vmem>>, vector<512x2048xf32>,
      %broadcast_in_dim3A = arith.constant 0.000000e+00 : f32
      %broadcast_in_dim3A_45 = vector.broadcast %broadcast_in_dim3A : f32 to vector<512x3072xf32>
      %swap3A_46 = arith.constant 0 : index
      %swap3A_47 = arith.constant 2048 : index
      %swap3A_48 = vector.load %arg4[%swap3A_46, %swap3A_47] : memref<512x5120xf32, #tpu.memory_space<vmem>>, vector<512x3072xf32>
      tpu.vector_store %arg4[%swap3A_46, %swap3A_47], %broadcast_in_dim3A_45 {strides = array<i32>} : memref<512x5120xf32, #tpu.memory_space<vmem>>, vector<512x3072xf32>,
    } else {
    }
    return
  }
  func.func @transform_1(%arg0: i32) -> (i32, i32) {
    %c0_i32 = arith.constant 0 : i32
    %c0_i32_0 = arith.constant 0 : i32
    %c0_i32_1 = arith.constant 0 : i32
    return %c0_i32, %c0_i32_0 : i32, i32
  }
  func.func @transform_2(%arg0: i32) -> (i32, i32) {
    %c0_i32 = arith.constant 0 : i32
    %c0_i32_0 = arith.constant 0 : i32
    %c0_i32_1 = arith.constant 0 : i32
    return %c0_i32, %c0_i32_0 : i32, i32
  }
  func.func @transform_3(%arg0: i32) -> (i32, i32) {
    %lt3A = arith.constant 4 : i32
    %lt3A_0 = arith.cmpi slt, %arg0, %lt3A : i32
    %add3A = arith.constant 2 : i32
    %add3A_1 = arith.addi %arg0, %add3A : i32
    %add3A_2 = arith.constant 4 : i32
    %add3A_3 = arith.addi %add3A_1, %add3A_2 : i32
    %lt3A_4 = arith.constant 8 : i32
    %lt3A_5 = arith.cmpi slt, %arg0, %lt3A_4 : i32
    %sub3A = arith.constant 4 : i32
    %sub3A_6 = arith.subi %arg0, %sub3A : i32
    %add3A_7 = arith.constant 2 : i32
    %add3A_8 = arith.addi %sub3A_6, %add3A_7 : i32
    %sub3A_9 = arith.constant 4 : i32
    %sub3A_10 = arith.subi %arg0, %sub3A_9 : i32
    %sub3A_11 = arith.constant 4 : i32
    %sub3A_12 = arith.subi %sub3A_10, %sub3A_11 : i32
    %select_n3A = arith.select %lt3A_5, %add3A_8, %sub3A_12 : i32
    %select_n3A_13 = arith.select %lt3A_0, %add3A_3, %select_n3A : i32
    %c0_i32 = arith.constant 0 : i32
    %c0_i32_14 = arith.constant 0 : i32
    return %select_n3A_13, %c0_i32 : i32, i32
  }
}

</mosaic_0001>

<sc_bundles>
// kernel: kernel.4.cloned.1.call-start
scs
__scs_entry_jumppad:
0x0: {  	(pc) =	sbr.rel $0x88, $3  }
0x1: {  	(tag) =	ssettag $0x0;
	lr =	simm.s32 $0x1  }
0x2: {  	[smem:$0x3F9C] =	sst lr;
	_ =	strace $0xD0000000  }
0x3: {  	_ = 	snop  }
0x4: {  	_ = 	snop  }
0x5: {  	_ = 	snop  }
0x6: {  	_ = 	snop  }
0x7: {  	_ = 	snop  }
__scs_overlays_trampoline_lowered:
0x8: {  	[smem:$0x3FAB] =	sst s0  }
0x9: {  	[smem:$0x3FAC] =	sst s1  }
0xa: {  	[smem:$0x3FAD] =	sst s2  }
0xb: {  	[smem:$0x3FAE] =	sst s3  }
0xc: {  	[smem:$0x3FAF] =	sst s4  }
0xd: {  	[smem:$0x3FB0] =	sst s5  }
0xe: {  	[smem:$0x3FB1] =	sst s6  }
0xf: {  	[smem:$0x3FB2] =	sst s7  }
0x10: {  	[smem:$0x3FB3] =	sst s8  }
0x11: {  	[smem:$0x3FB4] =	sst s9;
	s0 =	simm.s32 @!p0 $0x0  }
0x12: {  	s1 =	sld [smem:$0x3F9A];
	s0 =	simm.s32 @p0 $0x1  }
0x13: {  	[smem:$0x3FB5] =	sst s0;
	s0 =	simm.s32 @!p1 $0x0  }
0x14: {  	s2 =	sld [smem:$0x3F99];
	s0 =	simm.s32 @p1 $0x1  }
0x15: {  	[smem:$0x3FB6] =	sst s0;
	s0 =	simm.s32 @!p2 $0x0  }
0x16: {  	s3 =	sld [smem:$0x3FDB];
	s0 =	simm.s32 @p2 $0x1  }
0x17: {  	s4 =	simm.s32 $0x1BF5;
	[smem:$0x3FB8] =	sst s0  }
0x18: {  	s0 =	sld [smem:$0x3F9B];
	_ =	swait.ge [sflag:s4], $0x0  }
0x19: {  	s7 =	sld [smem:$0x3F9C]  }
0x1a: {  	s8 =	sadd.s32 $0xFFFFE003, lr  }
0x1b: {  	s9 =	sadd.s32 $0xFFFFFEF7, lr;
	s5 =	simm.s32 $0xFFFFFFFF;
	p2 =	slt.u32 s8, $0xFFFFF086  }
0x1c: {  	p1 =	slt.u32 s9, $0xF7A;
	s5 =	simm.s32 @!p2 $0x0  }
0x1d: {  	s5 =	simm.s32 @p1 $0x1;
	p0 =	seq.s32 s7, s2  }
0x1e: {  	s7 =	smul.u32 @!p0 $0xF7A, s2;
	p2 =	seq.s32 @!p0 s5, $0x0  }
0x1f: {  	s9 =	smul.u32 $0xF7A, s1;
	s8 =	simm.s32 @!p0 $0x1BF5;
	p2 =	por !p2, p0  }
0x20: {  	[sflag:s8] =	ssyncset.s32 @!p0 $0xFFFFF086;
	s6 =	sadd.s32 @!p0 s3, s7;
	s7 =	simm.s32 @!p0 $0x108  }
0x21: {  	s3 =	sadd.s32 s3, s9;
	s6 =	sadd.s32 @!p0 $0x88, s6;
	s7 =	simm.s32 @p2 $0x1082  }
0x22: {  	[simem:s7], [sflag:s8] =	dma.local @!p0 [hbm:s6], $0xF7A  }
0x23: {  	s9 =	sor.u32 $0xD0000000, s2;
	s6 =	simm.s32 $0x108;
	_ =	swait.ge @!p0 [sflag:s8], $0x0  }
0x24: {  	s3 =	sadd.s32 $0x88, s3;
	s6 =	simm.s32 @!p1 $0x1082;
	[sflag:s4] =	ssyncset.s32 $0xFFFFF086  }
0x25: {  	[simem:s6], [sflag:s4] =	dma.local [hbm:s3], $0xF7A  }
0x26: {  	[smem:$0x3F9C] =	sst s1;
	(tag) =	ssettag s2;
	_ =	strace s9  }
0x27: {  	s1 =	sld [smem:$0x3FAC]  }
0x28: {  	s2 =	sld [smem:$0x3FAD]  }
0x29: {  	s4 =	sld [smem:$0x3FAF]  }
0x2a: {  	p0 =	seq.s32 s5, $0x0;
	s5 =	sld [smem:$0x3FB0]  }
0x2b: {  	s6 =	sld [smem:$0x3FB1]  }
0x2c: {  	s7 =	sld [smem:$0x3FB2]  }
0x2d: {  	s3 =	simm.s32 $0x108;
	s8 =	sld [smem:$0x3FB3]  }
0x2e: {  	s3 =	simm.s32 @!p0 $0x1082;
	s9 =	sld [smem:$0x3FB4]  }
0x2f: {  	lr =	sadd.s32 s0, s3;
	s0 =	sld [smem:$0x3FAB]  }
0x30: {  	s3 =	sld [smem:$0x3FAE]  }
0x31: {  	[smem:$0x3FB7] =	sst s10  }
0x32: {  	s10 =	sld [smem:$0x3FB5];
	_ =	sdelay $0x3  }
0x33: {  	p0 =	seq.s32 s10, $0x1;
	s10 =	sld [smem:$0x3FB7];
	_ =	sdelay $0x3  }
0x34: {  	[smem:$0x3FB7] =	sst s10  }
0x35: {  	s10 =	sld [smem:$0x3FB6];
	_ =	sdelay $0x3  }
0x36: {  	p1 =	seq.s32 s10, $0x1;
	s10 =	sld [smem:$0x3FB7];
	_ =	sdelay $0x3  }
0x37: {  	[smem:$0x3FB7] =	sst s10  }
0x38: {  	s10 =	sld [smem:$0x3FB8]  }
0x39: {  	_ = 	snop;
	(pc) =	sbr.ind lr, $3  }
0x3a: {  	_ = 	snop  }
0x3b: {  	_ = 	snop  }
0x3c: {  	p2 =	seq.s32 s10, $0x1;
	s10 =	sld [smem:$0x3FB7]  }
0x3d: {  	_ =	shalt  }
0x3e: {  	_ =	shalt  }
0x3f: {  	_ =	shalt  }
0x40: {  	_ =	shalt  }
0x41: {  	_ =	shalt  }
0x42: {  	_ =	shalt  }
0x43: {  	_ =	shalt  }
0x44: {  	_ =	shalt  }
0x45: {  	_ =	shalt  }
0x46: {  	_ =	shalt  }
0x47: {  	_ =	shalt  }
0x48: {  	_ =	shalt  }
0x49: {  	_ =	shalt  }
0x4a: {  	_ =	shalt  }
0x4b: {  	_ =	shalt  }
0x4c: {  	_ =	shalt  }
0x4d: {  	_ =	shalt  }
0x4e: {  	_ =	shalt  }
0x4f: {  	_ =	shalt  }
0x50: {  	_ =	shalt  }
0x51: {  	_ =	shalt  }
0x52: {  	_ =	shalt  }
0x53: {  	_ =	shalt  }
0x54: {  	_ =	shalt  }
0x55: {  	_ =	shalt  }
0x56: {  	_ =	shalt  }
0x57: {  	_ =	shalt  }
0x58: {  	_ =	shalt  }
0x59: {  	_ =	shalt  }
0x5a: {  	_ =	shalt  }
0x5b: {  	_ =	shalt  }
0x5c: {  	_ =	shalt  }
0x5d: {  	_ =	shalt  }
0x5e: {  	_ =	shalt  }
0x5f: {  	_ =	shalt  }
0x60: {  	_ =	shalt  }
0x61: {  	_ =	shalt  }
0x62: {  	_ =	shalt  }
0x63: {  	_ =	shalt  }
0x64: {  	_ =	shalt  }
0x65: {  	_ =	shalt  }
0x66: {  	_ =	shalt  }
0x67: {  	_ =	shalt  }
0x68: {  	_ =	shalt  }
0x69: {  	_ =	shalt  }
0x6a: {  	_ =	shalt  }
0x6b: {  	_ =	shalt  }
0x6c: {  	_ =	shalt  }
0x6d: {  	_ =	shalt  }
0x6e: {  	_ =	shalt  }
0x6f: {  	_ =	shalt  }
0x70: {  	_ =	shalt  }
0x71: {  	_ =	shalt  }
0x72: {  	_ =	shalt  }
0x73: {  	_ =	shalt  }
0x74: {  	_ =	shalt  }
0x75: {  	_ =	shalt  }
0x76: {  	_ =	shalt  }
0x77: {  	_ =	shalt  }
0x78: {  	_ =	shalt  }
0x79: {  	_ =	shalt  }
0x7a: {  	_ =	shalt  }
0x7b: {  	_ =	shalt  }
0x7c: {  	_ =	shalt  }
0x7d: {  	_ =	shalt  }
0x7e: {  	_ =	shalt  }
0x7f: {  	_ =	shalt  }
0x80: {  	_ =	shalt  }
0x81: {  	_ =	shalt  }
0x82: {  	_ =	shalt  }
0x83: {  	_ =	shalt  }
0x84: {  	_ =	shalt  }
0x85: {  	_ =	shalt  }
0x86: {  	_ =	shalt  }
0x87: {  	_ =	shalt  }
.Lfunc_end0:
.L_simem_size_0:
called_computation_lowered:
.L_overlay_start_0:
0x88: {  	s2 =	sld [smem:$0x3FD9]  }
0x89: {  	s3 =	sld [smem:$0x3FFE];
	_ =	sdelay $0x1  }
0x8a: {  	s1 =	srdreg.scid  }
0x8b: {  	s0 =	sand.u32 $0x1, s1  }
0x8c: {  	s17 =	sshll.u32 s0, $0xA;
	s2 =	sadd.s32 s3, s2  }
0x8d: {  	s2 =	sadd.s32 s2, s17  }
0x8e: {  	[smem:$0x3FC3] =	sst s2  }
0x8f: {  	_ = 	snop  }
0x90: {  	s2 =	sld [smem:$0x3FC8]  }
0x91: {  	s18 =	sld [smem:$0x3FC6]  }
0x92: {  	s4 =	sld [smem:$0x3FD0];
	(tm) =	ssettm $0x1  }
0x93: {  	s5 =	sld [smem:$0x3FFB];
	_ =	sdelay $0x3  }
0x94: {  	_ =	strace s5  }
0x95: {  	s5 =	sld [smem:$0x3FFC];
	_ =	sdelay $0x3  }
0x96: {  	_ =	strace s5  }
0x97: {  	s5 =	sld [smem:$0x3FFD];
	_ =	sdelay $0x3  }
0x98: {  	_ =	strace s5  }
0x99: {  	_ =	strace $0x8FFFFFFF  }
0x9a: {  	s19 =	sld [smem:$0x3FDB];
	_ =	sdelay $0x1  }
0x9b: {  	s6 =	simm.s32 $_scs_section_size  }
0x9c: {  	s7 =	simm.s32 $_size__tile_overlayer_lowered;
	s8 =	simm.s32 $_tile_overlayer_lowered  }
0x9d: {  	s22 =	simm.s32 $0x1BFF;
	s21 =	sshll.u32 s8, $0x1;
	s5 =	sadd.s32 s6, s19  }
0x9e: {  	s9 =	simm.s32 $0x0;
	s20 =	sshll.u32 s7, $0x1;
	s7 =	sadd.s32 s21, s5  }
0x9f: {  	[timem:s9], [sflag:s22] =	dma.local [hbm:s7], s20  }
0xa0: {  	_ =	swait.ge [sflag:s22], s20  }
0xa1: {  	s6 =	ssub.s32 $0x0, s20;
	[sflag:s22] =	ssyncset.done $0x0  }
0xa2: {  	[sflag:s22] =	ssyncadd.s32 s6;
	_ =	sdelay $0x1  }
0xa3: {  	s23 =	simm.s32 $0x1B8B  }
0xa4: {  	_ =	swait.ge [sflag:s23], $0x1  }
0xa5: {  	[sflag:s23] =	ssyncset.done $0x0  }
0xa6: {  	s25 =	simm.s32 $0x1B8E;
	s24 =	sld [smem:$0x3FFE];
	[sflag:s23] =	ssyncadd.s32 $0xFFFFFFFF  }
0xa7: {  	s26 =	simm.s32 $execute0_lowered;
	[smem:$0x3FD2] =	sst s25  }
0xa8: {  	s7 =	sshll.u32 s26, $0x1;
	_ =	strace $0x80000046;
	[dreg:$0x1] =	wrdreg $0xFFFFFFFF  }
0xa9: {  	s28 =	simm.s32 $_size_execute0_lowered;
	s5 =	sadd.s32 s5, s7;
	[dreg:$0x0] =	wrdreg $0x0  }
0xaa: {  	s7 =	sshll.u32 s28, $0x1;
	[dreg:$0x2] =	wrdreg s5  }
0xab: {  	[dreg:$0x3] =	wrdreg s7  }
0xac: {  	[dreg:$0x4] =	wrdreg $0xC0  }
0xad: {  	_ =	task [dreg:s9], $0x5FFFF  }
0xae: {  	[dreg:$0x1] =	wrdreg $0xFFFFFFFF  }
0xaf: {  	[dreg:$0x0] =	wrdreg $0x60  }
0xb0: {  	[dreg:$0x2] =	wrdreg s2  }
0xb1: {  	[dreg:$0x3] =	wrdreg s18  }
0xb2: {  	[dreg:$0x4] =	wrdreg s4  }
0xb3: {  	[dreg:$0x5] =	wrdreg s24  }
0xb4: {  	[dreg:$0x6] =	wrdreg $0x9  }
0xb5: {  	_ =	task.clear_ibuf [dreg:s9], $0x7FFFF;
	_ =	strace $0x90000046  }
0xb6: {  	s29 =	simm.s32 $0x9;
	_ =	strace $0x80000048  }
0xb7: {  	_ =	swait.ge [sflag:s29], $0x1  }
0xb8: {  	[sflag:s29] =	ssyncadd.s32 $0xFFFFFFFF  }
0xb9: {  	_ =	strace $0x90000048  }
0xba: {  	_ =	sfence  }
0xbb: {  	s30 =	sld [smem:$0x0];
	_ =	sdelay $0x2  }
0xbc: {  	s31 =	sshll.u32 s1, $0xD;
	s1 =	sshrl.u32 s1, $0x2  }
0xbd: {  	s3 =	sand.u32 $0x4000, s31;
	s1 =	sadd.s32 s1, s30  }
0xbe: {  	s0 =	sor.u32 s3, s0;
	s1 =	sshll.u32 s1, $0x11  }
0xbf: {  	s0 =	sor.u32 s1, s0  }
0xc0: {  	s0 =	sadd.s32 $0x8F2B, s0  }
0xc1: {  	[sflag:s0] =	ssyncadd.remote.s32 $0x1  }
0xc2: {  	_ =	sfence.sel $0xFFFF  }
0xc3: {  	[dreg:$0x0] =	wrdreg $0xFFFFFFFF;
	(pc) =	sbr.abs _section_cstart, $3  }
0xc4: {  	[dreg:$0x1] =	wrdreg $0xFFFFFFFF  }
0xc5: {  	_ =	task.clear_ibuf [dreg:s9], $0x2FFFF;
	_ =	strace $0x9FFFFFFF  }
0xc6: {  	(tm) =	ssettm $0x7FFFFFFF  }
0xc7: {  	_ =	shalt  }
tec
execute0_lowered:
.L_overlay_start_1:
0x0: {  	(tag) =	ssettag $0x1  }
0x1: {  	s3 =	rddreg [dreg:$0x0]  }
0x2: {  	s4 =	rddreg [dreg:$0x1]  }
0x3: {  	s5 =	rddreg [dreg:$0x2]  }
0x4: {  	s6 =	rddreg [dreg:$0x3];
	s2 =	srdreg.scid  }
0x5: {  	s0 =	rddreg [dreg:$0x4];
	s1 =	stileid.u32;
	s7 =	sand.u32 $0x1, s2  }
0x6: {  	s2 =	simm.s32 $0x0;
	s8 =	sshll.u32 s1, $0x4;
	s9 =	sshll.u32 s7, $0x3  }
0x7: {  	[smem:$0x7FF] =	sst s2;
	s13 =	sor.u32 s9, s8  }
0x8: {  	_ =	strace $0x80000047;
	s8 =	sadd.s32 s3, s13;
	s3 =	simm.s32 $0x1  }
0x9: {  	[tilespmem:s2], [sflag:$0x1] =	stream.linear.gather [hbm4b:s8+s2], $0x40, $0x38;
	[tilespmem:$0x280] =	vst v63  }
0xa: {  	_ =	swait.ge [sflag:s3], $0x40  }
0xb: {  	[sflag:s3] =	ssyncset.done $0x0  }
0xc: {  	s10 =	simm.s32 $0x80;
	s9 =	sadd.s32 s4, s13;
	[sflag:s3] =	ssyncadd.s32 $0xFFFFFFC0  }
0xd: {  	[tilespmem:s10], [sflag:$0x1] =	stream.linear.gather [hbm4b:s9+s2], $0x40, $0x38;
	[tilespmem:$0x280] =	vst v63  }
0xe: {  	_ =	swait.ge [sflag:s3], $0x40  }
0xf: {  	[sflag:s3] =	ssyncset.done $0x0  }
0x10: {  	s12 =	simm.s32 $0x100;
	s11 =	sadd.s32 s5, s13;
	[sflag:s3] =	ssyncadd.s32 $0xFFFFFFC0  }
0x11: {  	[tilespmem:s12], [sflag:$0x1] =	stream.linear.gather [hbm4b:s11+s2], $0x40, $0x38;
	[tilespmem:$0x280] =	vst v63  }
0x12: {  	_ =	swait.ge [sflag:s3], $0x40  }
0x13: {  	[sflag:s3] =	ssyncset.done $0x0  }
0x14: {  	[sflag:s3] =	ssyncadd.s32 $0xFFFFFFC0  }
0x15: {  	v8 =	vld [tilespmem:$0x90]  }
0x16: {  	v4 =	vld [tilespmem:$0x100]  }
0x17: {  	v6 =	vld [tilespmem:$0x30]  }
0x18: {  	v9 =	vld [tilespmem:$0x20]  }
0x19: {  	v10 =	vld [tilespmem:$0x130]  }
0x1a: {  	v0 =	vimm.f32 $0.0e+00;
	v3 =	vimm.s32 $0x0;
	s29 =	ssub.s32 $0x2, s7;
	v7 =	vld [tilespmem:$0x110];
	vm0 =	veq.s32 v8, $0x2  }
0x1b: {  	v5 =	vimm.s32 $0x0;
	s30 =	sshrl.u32 s29, $0x1;
	v1 =	vld [tilespmem:$0x0];
	vm6 =	veq.s32 v8, $0x3;
	v3 =	vsel vm0, $0xFFFFFFFF, v3  }
0x1c: {  	s4 =	ssub.s32 s29, s30;
	(erf) = vrcp.f32 v6;
	vm1 =	vgt.f32 v4, $0.0e+00;
	vm0 =	veq.s32 v8, $0x1;
	[tilespmem:$0x1FFC0] =	vst v3;
	v3 =	vld [tilespmem:$0x80]  }
0x1d: {  	s31 =	smax.u32 s4, $0x1;
	v2 =	vld [tilespmem:$0x10];
	vm7 =	veq.s32 v8, $0x0;
	v4 =	vsub.f32 $0.0e+00, v9;
	v5 =	vsel vm0, $0xFFFFFFFF, v5  }
0x1e: {  	p0 =	sne.s32 s31, $0x1;
	vm13 =	veq.s32 v8, $0x4;
	vm15 =	veq.s32 v8, $0x5;
	vm9 =	vgt.f32 v10, $0.0e+00;
	[tilespmem:$0x1FFD0] =	vst v5;
	v5 =	vld [tilespmem:$0xB0]  }
.Ltmp0:
0x1f: {  	vm10 =	vgt.f32 v7, $0.0e+00;
	v7 =	vimm.s32 $0x0;
	vm0 =	vmneg vm9;
	(pc) =	sbr.rel @!p0 .LBB2_2-.Ltmp0, $4  }
0x20: {  	(erf) = vrcp.f32 v9;
	vm11 =	vmneg vm1;
	v7 =	vsel vm0, $0xFFFFFFFF, v7  }
0x21: {  	s6 =	sadd.s32 s13, s6;
	vm14 =	vmneg vm10;
	[tilespmem:$0x1FFE0] =	vst v7;
	v7 =	vimm.s32 $0x0;
	vm0 =	veq.s32 v3, $0x5  }
0x22: {  	s7 =	simm.s32 $0x180;
	s5 =	sadd.s32 $0xC00, s6;
	v8 =	vld [tilespmem:$0x120];
	(erf) = vrcp.f32 v2;
	v7 =	vsel vm0, $0xFFFFFFFF, v7;
	vm0 =	veq.s32 v3, $0x3  }
0x23: {  	s4 =	sadd.s32 $0xE00, s6;
	s6 =	simm.s32 $0x200;
	s13 =	sadd.s32 $0xFFFFFFFF, s31;
	(erf) = vrcp.f32 v1;
	vm2 =	veq.s32 v5, $0x0;
	[tilespmem:$0x1FFF0] =	vst v7;
	v7 =	vld [tilespmem:$0xA0];
	vm3 =	vmand vm0, vm1  }
.LBB2_1:
0x24: {  	v9 =	vimm.s32 $0x0  }
0x25: {  	vm4 =	veq.s32 v5, $0x4;
	vm5 =	veq.s32 v3, $0x4;
	v9 =	vsel vm13, $0xFFFFFFFF, v9  }
0x26: {  	v19 =	vimm.s32 $0x0;
	vm0 =	vmand vm0, vm11;
	[tilespmem:$0x1FF90] =	vst v9;
	v9 =	vimm.s32 $0x0  }
0x27: {  	v17 =	vimm.s32 $0x0;
	v15 =	vimm.s32 $0x0;
	v9 =	vsel vm7, $0xFFFFFFFF, v9  }
0x28: {  	v13 =	vimm.s32 $0x0;
	v11 =	vimm.s32 $0x0;
	[tilespmem:$0x1FFB0] =	vst v9;
	v9 =	vimm.s32 $0x0  }
0x29: {  	vm11 =	veq.s32 v5, $0x3;
	v54 =	vimm.s32 $0x0;
	v9 =	vsel vm2, $0xFFFFFFFF, v9  }
0x2a: {  	v16 =	vsel vm0, $0xFFFFFFFF, v17;
	vm0 =	vmor vm2, vm4;
	[tilespmem:$0x1FF70] =	vst v9;
	v9 =	vimm.s32 $0x0  }
0x2b: {  	vm12 =	veq.s32 v7, $0x5;
	v9 =	vsel vm4, $0xFFFFFFFF, v9;
	vm4 =	veq.s32 v7, $0x2  }
0x2c: {  	v18 =	vsel vm5, $0xFFFFFFFF, v19;
	v14 =	vsel vm0, $0xFFFFFFFF, v15;
	vm0 =	vmor vm12, vm4  }
0x2d: {  	vm8 =	veq.s32 v7, $0x0;
	v12 =	vsel vm0, $0xFFFFFFFF, v13;
	vm0 =	veq.s32 v5, $0x1  }
0x2e: {  	vm5 =	veq.s32 v7, $0x4;
	v10 =	vsel vm0, $0xFFFFFFFF, v11;
	vm0 =	veq.s32 v5, $0x2  }
0x2f: {  	v56 =	vimm.s32 $0x0;
	v55 =	vsel vm0, $0xFFFFFFFF, v54;
	vm0 =	vmor vm8, vm5  }
0x30: {  	v58 =	vimm.s32 $0x0;
	v57 =	vsel vm0, $0xFFFFFFFF, v56;
	vm0 =	veq.s32 v3, $0x0  }
0x31: {  	v59 =	vsel vm0, $0xFFFFFFFF, v58;
	vm0 =	vmand vm11, vm9;
	vm9 =	veq.s32 v5, $0x5;
	v5 =	vld [tilespmem:$0x1FFC0];
	_ =	sdelay $0x2  }
0x32: {  	vm1 =	veq.s32 v3, $0x1  }
0x33: {  	vm7 =	vmor vm1, vm3  }
0x34: {  	vm13 =	veq.s32 v3, $0x2;
	v3 =	vsel vm7, $0x3F800000, v0;
	vm7 =	vnez.u8 v5;
	v5 =	vld [tilespmem:$0x1FFF0];
	_ =	sdelay $0x2  }
0x35: {  	v60 =	vimm.s32 $0x0  }
0x36: {  	vm3 =	vmmov vm15;
	v61 =	vsel vm0, $0xFFFFFFFF, v60  }
0x37: {  	vm0 =	vmand vm6, vm10;
	vm10 =	vmor vm3, vm7;
	vm3 =	vnez.u8 v5;
	v5 =	vld [tilespmem:$0x1FFD0];
	_ =	sdelay $0x3  }
0x38: {  	[tilespmem:$0x1FEE0] =	vst v12  }
0x39: {  	vm7 =	vnez.u8 v5;
	v5 =	vld [tilespmem:$0x1FEE0];
	_ =	sdelay $0x3  }
0x3a: {  	[tilespmem:$0x1FEF0] =	vst v16  }
0x3b: {  	vm7 =	vmor vm7, vm0;
	vm0 =	vnez.u8 v5;
	v5 =	vld [tilespmem:$0x1FEF0]  }
0x3c: {  	v62 =	vimm.s32 $0x0;
	vm2 =	vgt.f32 v8, $0.0e+00  }
0x3d: {  	v8 =	vpop (erf);
	vm4 =	vmneg vm2;
	v12 =	vsel vm15, $0xFFFFFFFF, v62;
	vm15 =	veq.s32 v7, $0x3  }
0x3e: {  	vm1 =	veq.s32 v7, $0x1;
	[tilespmem:$0x1FF60] =	vst v9;
	v9 =	vpop (erf);
	vm4 =	vmand vm15, vm4  }
0x3f: {  	v9 =	vmul.f32 $-9.999999970e-07, v9;
	vm2 =	vmand vm15, vm2;
	vm0 =	vmor vm0, vm4  }
0x40: {  	vm4 =	vnez.u8 v5;
	v5 =	vsel vm0, $0x3F800000, v0;
	vm0 =	vmor vm1, vm2  }
0x41: {  	v5 =	vsel vm5, v9, v5;
	v7 =	vsel vm0, $0x3F800000, v0  }
0x42: {  	v4 =	vsel vm8, v4, v5;
	v5 =	vsel vm12, v9, v7;
	v7 =	vld [tilespmem:$0x1FFE0];
	_ =	sdelay $0x3  }
0x43: {  	[tilespmem:$0x1FF10] =	vst v18  }
0x44: {  	vm1 =	vnez.u8 v7;
	v7 =	vld [tilespmem:$0x1FF10];
	_ =	sdelay $0x3  }
0x45: {  	[tilespmem:$0x1FF20] =	vst v59  }
0x46: {  	vm5 =	vnez.u8 v7;
	v7 =	vld [tilespmem:$0x1FF20]  }
0x47: {  	[tilespmem:$0x1FF00] =	vst v55  }
0x48: {  	[tilespmem:$0x1FF30] =	vst v57;
	v63 =	vld [tilespmem:$0x1FF00]  }
0x49: {  	[tilespmem:$0x1A0] =	vst v4;
	v4 =	vld [tilespmem:$0x1FF30]  }
0x4a: {  	[tilespmem:$0x1FF40] =	vst v10  }
0x4b: {  	vm14 =	vmand vm6, vm14;
	vm6 =	vnez.u8 v7;
	v7 =	vld [tilespmem:$0x1FF40];
	_ =	sdelay $0x1  }
0x4c: {  	vm0 =	vnez.u8 v63  }
0x4d: {  	vm0 =	vmor vm9, vm0;
	vm1 =	vmand vm11, vm1;
	vm8 =	vnez.u8 v4  }
0x4e: {  	[tilespmem:$0x1FF50] =	vst v61;
	v4 =	vsel vm8, $0x3F800000, v5;
	vm0 =	vmor vm0, vm1  }
0x4f: {  	[tilespmem:$0x220] =	vst v4;
	v4 =	vsel vm0, $0x3F800000, v0;
	vm0 =	vnez.u8 v7;
	v7 =	vld [tilespmem:$0x1FF50];
	_ =	sdelay $0x4  }
0x50: {  	vm1 =	vnez.u8 v7;
	v7 =	vld [tilespmem:$0x1FF60]  }
0x51: {  	v9 =	vld [tilespmem:$0x1FF70];
	_ =	sdelay $0x2  }
0x52: {  	v8 =	vmul.f32 $-9.999999970e-07, v8  }
0x53: {  	v6 =	vsub.f32 $0.0e+00, v6;
	vm0 =	vmor vm0, vm1;
	vm1 =	vnez.u8 v7  }
0x54: {  	v7 =	vsel vm0, $0x3F800000, v0;
	vm0 =	vnez.u8 v9;
	v4 =	vsel vm1, v8, v4  }
0x55: {  	[tilespmem:$0x1FF80] =	vst v14;
	v4 =	vsel vm0, v6, v4  }
0x56: {  	[tilespmem:$0x1B0] =	vst v4;
	v4 =	vld [tilespmem:$0x1FF80];
	_ =	sdelay $0x4  }
0x57: {  	v10 =	vpop (erf);
	v6 =	vsel vm9, v8, v7;
	vm1 =	vnez.u8 v4  }
0x58: {  	v11 =	vpop (erf);
	v4 =	vsel vm1, $0x3F800000, v6;
	v6 =	vld [tilespmem:$0x1FF90]  }
0x59: {  	v11 =	vmul.f32 $-9.999999970e-07, v11;
	_ =	sdelay $0x1  }
0x5a: {  	v3 =	vsel vm3, v11, v3;
	vm2 =	vmor vm6, vm5  }
0x5b: {  	[tilespmem:$0x1FFA0] =	vst v12;
	v3 =	vsel vm2, $0x3F800000, v3;
	vm0 =	vmor vm10, vm14  }
0x5c: {  	[tilespmem:$0x200] =	vst v3;
	v3 =	vsel vm0, $0x3F800000, v0;
	vm0 =	vnez.u8 v6;
	v6 =	vld [tilespmem:$0x1FFA0];
	_ =	sdelay $0x4  }
0x5d: {  	vm13 =	vmor vm3, vm13;
	vm1 =	vnez.u8 v6;
	v6 =	vld [tilespmem:$0x1FFB0]  }
0x5e: {  	vm4 =	vmor vm13, vm4  }
0x5f: {  	v1 =	vsub.f32 $0.0e+00, v1;
	v5 =	vsel vm4, $0x3F800000, v0  }
0x60: {  	v10 =	vmul.f32 $-9.999999970e-07, v10;
	v5 =	vsel vm5, v11, v5  }
0x61: {  	v2 =	vsub.f32 $0.0e+00, v2;
	v1 =	vsel vm6, v1, v5;
	v5 =	vsel vm7, $0x3F800000, v0  }
0x62: {  	[tilespmem:$0x180] =	vst v1;
	v3 =	vsel vm0, v10, v3;
	v5 =	vsel vm1, v10, v5;
	vm1 =	vnez.u8 v6  }
0x63: {  	[tilespmem:$0x230] =	vst v4;
	vm0 =	vmor vm1, vm0;
	v1 =	vsel vm1, v2, v3  }
0x64: {  	v2 =	vsel vm0, $0x3F800000, v5;
	[tilespmem:$0x190] =	vst v1  }
0x65: {  	[tilespmem:$0x210] =	vst v2  }
0x66: {  	[hbm4b:s5+s2] =	stream.linear.scatter [tilespmem:s7], [sflag:$0x1], $0x40, $0x38;
	[tilespmem:$0x280] =	vst v63  }
0x67: {  	_ =	swait.ge [sflag:s3], $0x40  }
0x68: {  	[sflag:s3] =	ssyncset.done $0x0  }
0x69: {  	[sflag:s3] =	ssyncadd.s32 $0xFFFFFFC0  }
0x6a: {  	[hbm4b:s4+s2] =	stream.linear.scatter [tilespmem:s6], [sflag:$0x1], $0x40, $0x38;
	[tilespmem:$0x280] =	vst v63  }
0x6b: {  	_ =	swait.ge [sflag:s3], $0x40  }
0x6c: {  	[sflag:s3] =	ssyncset.done $0x0  }
0x6d: {  	[sflag:s3] =	ssyncadd.s32 $0xFFFFFFC0  }
0x6e: {  	[tilespmem:s2], [sflag:$0x1] =	stream.linear.gather [hbm4b:s8+s2], $0x40, $0x38;
	[tilespmem:$0x280] =	vst v63  }
0x6f: {  	_ =	swait.ge [sflag:s3], $0x40  }
0x70: {  	[sflag:s3] =	ssyncset.done $0x0  }
0x71: {  	[sflag:s3] =	ssyncadd.s32 $0xFFFFFFC0  }
0x72: {  	[tilespmem:s10], [sflag:$0x1] =	stream.linear.gather [hbm4b:s9+s2], $0x40, $0x38;
	[tilespmem:$0x280] =	vst v63  }
0x73: {  	_ =	swait.ge [sflag:s3], $0x40  }
0x74: {  	[sflag:s3] =	ssyncset.done $0x0  }
0x75: {  	[sflag:s3] =	ssyncadd.s32 $0xFFFFFFC0  }
0x76: {  	[tilespmem:s12], [sflag:$0x1] =	stream.linear.gather [hbm4b:s11+s2], $0x40, $0x38;
	[tilespmem:$0x280] =	vst v63  }
0x77: {  	_ =	swait.ge [sflag:s3], $0x40  }
0x78: {  	[sflag:s3] =	ssyncset.done $0x0  }
0x79: {  	[sflag:s3] =	ssyncadd.s32 $0xFFFFFFC0  }
0x7a: {  	v9 =	vld [tilespmem:$0x90];
	_ =	sdelay $0x2  }
0x7b: {  	v7 =	vld [tilespmem:$0x110]  }
0x7c: {  	v2 =	vld [tilespmem:$0x100]  }
0x7d: {  	v3 =	vimm.s32 $0x0;
	v6 =	vld [tilespmem:$0x30];
	vm0 =	veq.s32 v9, $0x2  }
0x7e: {  	v10 =	vld [tilespmem:$0x130];
	v3 =	vsel vm0, $0xFFFFFFFF, v3  }
0x7f: {  	v5 =	vld [tilespmem:$0xB0];
	vm0 =	veq.s32 v9, $0x1;
	[tilespmem:$0x1FFC0] =	vst v3;
	v3 =	vimm.s32 $0x0  }
0x80: {  	v4 =	vld [tilespmem:$0x20];
	v3 =	vsel vm0, $0xFFFFFFFF, v3  }
0x81: {  	vm6 =	veq.s32 v9, $0x3;
	vm1 =	vgt.f32 v2, $0.0e+00;
	[tilespmem:$0x1FFD0] =	vst v3;
	v3 =	vld [tilespmem:$0x80]  }
0x82: {  	v2 =	vld [tilespmem:$0x10];
	(erf) = vrcp.f32 v6;
	vm7 =	veq.s32 v9, $0x0;
	vm13 =	veq.s32 v9, $0x4  }
0x83: {  	p0 =	sne.s32 s13, $0x1;
	v1 =	vld [tilespmem:$0x0];
	vm15 =	veq.s32 v9, $0x5;
	vm9 =	vgt.f32 v10, $0.0e+00;
	vm10 =	vgt.f32 v7, $0.0e+00  }
.Ltmp1:
0x84: {  	vm2 =	veq.s32 v5, $0x0;
	v9 =	vimm.s32 $0x0;
	vm0 =	vmneg vm9;
	(pc) =	sbr.rel @p0 .LBB2_1-.Ltmp1, $4  }
0x85: {  	(erf) = vrcp.f32 v4;
	vm11 =	vmneg vm1;
	v9 =	vsel vm0, $0xFFFFFFFF, v9  }
0x86: {  	v4 =	vsub.f32 $0.0e+00, v4;
	[tilespmem:$0x1FFE0] =	vst v9;
	v9 =	vimm.s32 $0x0;
	vm0 =	veq.s32 v3, $0x5  }
0x87: {  	v8 =	vld [tilespmem:$0x120];
	(erf) = vrcp.f32 v2;
	v9 =	vsel vm0, $0xFFFFFFFF, v9;
	vm0 =	veq.s32 v3, $0x3  }
0x88: {  	s13 =	sadd.s32 $0xFFFFFFFF, s13;
	v7 =	vld [tilespmem:$0xA0];
	vm14 =	vmneg vm10;
	(erf) = vrcp.f32 v1;
	[tilespmem:$0x1FFF0] =	vst v9;
	vm3 =	vmand vm0, vm1  }
.LBB2_2:
0x89: {  	v9 =	vimm.s32 $0x0;
	vm1 =	veq.s32 v3, $0x1;
	vm0 =	vmand vm0, vm11  }
0x8a: {  	vm5 =	vmand vm6, vm10;
	vm10 =	veq.s32 v3, $0x2;
	v44 =	vld [tilespmem:$0x1FFD0];
	v6 =	vsub.f32 $0.0e+00, v6  }
0x8b: {  	v10 =	vld [tilespmem:$0x1FFF0];
	v1 =	vsub.f32 $0.0e+00, v1;
	v2 =	vsub.f32 $0.0e+00, v2;
	vm1 =	vmor vm1, vm3  }
0x8c: {  	v9 =	vsel vm2, $0xFFFFFFFF, v9;
	vm3 =	vmand vm6, vm14;
	v43 =	vsel vm1, $0x3F800000, v0;
	v45 =	vpop (erf)  }
0x8d: {  	[tilespmem:$0x1FF70] =	vst v9;
	vm2 =	vgt.f32 v8, $0.0e+00;
	v9 =	vmul.f32 $-9.999999970e-07, v45;
	vm4 =	veq.s32 v7, $0x5  }
0x8e: {  	v48 =	vld [tilespmem:$0x1FFE0];
	vm1 =	veq.s32 v7, $0x2;
	vm11 =	vmneg vm2;
	vm12 =	veq.s32 v7, $0x3  }
0x8f: {  	vm1 =	vmor vm4, vm1;
	vm8 =	vmand vm12, vm11;
	vm14 =	vnez.u8 v44  }
0x90: {  	vm11 =	vnez.u8 v10;
	vm2 =	vmand vm12, vm2;
	vm12 =	veq.s32 v5, $0x2  }
0x91: {  	v46 =	vpop (erf);
	vm6 =	vmor vm14, vm5;
	vm1 =	vmor vm1, vm8;
	vm8 =	vmor vm11, vm10  }
0x92: {  	vm10 =	veq.s32 v7, $0x1;
	v10 =	vmul.f32 $-9.999999970e-07, v46;
	vm5 =	veq.s32 v5, $0x3  }
0x93: {  	vm14 =	vnez.u8 v48;
	vm0 =	vmor vm8, vm0;
	vm2 =	vmor vm10, vm2  }
0x94: {  	v11 =	vsel vm1, $0x3F800000, v0;
	vm1 =	veq.s32 v7, $0x0;
	vm9 =	vmand vm5, vm9  }
0x95: {  	vm5 =	vmand vm5, vm14;
	vm8 =	veq.s32 v5, $0x5;
	vm14 =	veq.s32 v5, $0x4  }
0x96: {  	v49 =	vpop (erf);
	v62 =	vsel vm6, $0x3F800000, v0;
	v12 =	vsel vm2, $0x3F800000, v0;
	vm2 =	veq.s32 v7, $0x4  }
0x97: {  	v56 =	vsel vm0, $0x3F800000, v0;
	v60 =	vmul.f32 $-9.999999970e-07, v49;
	v47 =	vsel vm4, v10, v12  }
0x98: {  	v55 =	vld [tilespmem:$0x1FF70];
	v10 =	vsel vm2, v10, v11;
	vm2 =	vmor vm1, vm2;
	vm4 =	vmor vm8, vm12  }
0x99: {  	v58 =	vld [tilespmem:$0x1FFC0];
	v50 =	vpop (erf);
	vm12 =	veq.s32 v5, $0x1;
	v4 =	vsel vm1, v4, v10;
	v7 =	vsel vm2, $0x3F800000, v47  }
0x9a: {  	vm10 =	vmor vm4, vm5;
	v10 =	vmul.f32 $-9.999999970e-07, v50;
	vm1 =	vmor vm12, vm9  }
0x9b: {  	vm9 =	veq.s32 v3, $0x4;
	v51 =	vsel vm10, $0x3F800000, v0;
	v53 =	vsel vm1, $0x3F800000, v0  }
0x9c: {  	vm10 =	veq.s32 v3, $0x0;
	v52 =	vsel vm11, v10, v43;
	v54 =	vsel vm14, v9, v51  }
0x9d: {  	[tilespmem:$0x1A0] =	vst v4;
	vm11 =	vnez.u8 v55;
	vm12 =	vmor vm10, vm9;
	v8 =	vsel vm8, v9, v53  }
0x9e: {  	[tilespmem:$0x220] =	vst v7;
	vm2 =	vmor vm11, vm14;
	v3 =	vsel vm11, v6, v54;
	vm14 =	vnez.u8 v58  }
0x9f: {  	v57 =	vsel vm9, v10, v56;
	v5 =	vsel vm12, $0x3F800000, v52;
	vm0 =	vmor vm15, vm14;
	[tilespmem:$0x1B0] =	vst v3  }
0xa0: {  	v1 =	vsel vm10, v1, v57;
	v59 =	vsel vm2, $0x3F800000, v8;
	[tilespmem:$0x200] =	vst v5;
	vm0 =	vmor vm0, vm3  }
0xa1: {  	[tilespmem:$0x180] =	vst v1;
	v61 =	vsel vm0, $0x3F800000, v0;
	v0 =	vsel vm15, v60, v62;
	vm15 =	vmor vm7, vm13  }
0xa2: {  	[tilespmem:$0x230] =	vst v59;
	v3 =	vsel vm13, v60, v61;
	v0 =	vsel vm15, $0x3F800000, v0  }
0xa3: {  	v63 =	vsel vm7, v2, v3;
	[tilespmem:$0x210] =	vst v0  }
0xa4: {  	[tilespmem:$0x190] =	vst v63  }
0xa5: {  	[hbm4b:s5+s2] =	stream.linear.scatter [tilespmem:s7], [sflag:$0x1], $0x40, $0x38;
	[tilespmem:$0x280] =	vst v63  }
0xa6: {  	_ =	swait.ge [sflag:s3], $0x40  }
0xa7: {  	[sflag:s3] =	ssyncset.done $0x0  }
0xa8: {  	[sflag:s3] =	ssyncadd.s32 $0xFFFFFFC0  }
0xa9: {  	[hbm4b:s4+s2] =	stream.linear.scatter [tilespmem:s6], [sflag:$0x1], $0x40, $0x38;
	[tilespmem:$0x280] =	vst v63  }
0xaa: {  	_ =	swait.ge [sflag:s3], $0x40  }
0xab: {  	[sflag:s3] =	ssyncset.done $0x0  }
0xac: {  	[sflag:s3] =	ssyncadd.s32 $0xFFFFFFC0  }
0xad: {  	_ =	sfence.sel $0x180000  }
0xae: {  	[bflag:$0x0] =	sbarrier.arrive $0xFFFF  }
0xaf: {  	p0 =	sne.s32 s1, $0x0;
	_ =	strace $0x90000047  }
0xb0: {  	s0 =	sadd.s32 @!p0 $0x100000, s0;
	[bflag:$0x2] =	sbarrier.arrive $0xFFFF  }
0xb1: {  	[sflag:s0] =	ssyncadd.tile.s32 @!p0 $0x1;
	_ =	shalt  }
.Lfunc_end2:
_tile_overlayer_lowered:
.L_overlay_start_2:
0xb2: {  	(tag) =	ssettag $0x2  }
0xb3: {  	s0 =	rddreg [dreg:$0x0];
	s2 =	stileid.u32  }
0xb4: {  	s1 =	rddreg [dreg:$0x1];
	p0 =	sne.s32 s2, $0x0  }
0xb5: {  	s3 =	rddreg [dreg:$0x2];
	[bflag:$0x3] =	sbarrier.arrive $0xFFFF;
	s2 =	simm.s32 @!p0 $0x1C01  }
0xb6: {  	[timem:s3], [sflag:s2] =	dma.local @!p0 [hbm:s0], s1  }
0xb7: {  	s0 =	simm.s32 @!p0 $0x1  }
0xb8: {  	_ =	swait.ge @!p0 [sflag:s0], s1  }
0xb9: {  	s1 =	ssub.s32 @!p0 $0x0, s1;
	[sflag:s0] =	ssyncset.done @!p0 $0x0  }
0xba: {  	[sflag:s0] =	ssyncadd.s32 @!p0 s1  }
0xbb: {  	[bflag:$0x3] =	sbarrier.arrive $0xFFFF  }
0xbc: {  	_ =	shalt  }

</sc_bundles>
